<compile_context>
chip_gen: v7x
topology: tpu7x:2x2x1
jax: 0.10.2.dev20260603
libtpu: 0.0.44.dev20260713+nightly
codegen_flags: <defaults>
</compile_context>

<pallas_src>
import functools

import jax
import jax.numpy as jnp
from jax import lax
from jax.experimental import pallas as pl
from jax.experimental.pallas import tpu as pltpu
from jax.experimental.pallas import tpu_sc as plsc

_B = 4096
_K = 1024
_D = 256
_SMOOTH = 10.0
_LOG2E = 1.4426950408889634
_LN2 = 0.6931471805599453

_BM = 1024
_GB = _B // _BM
_BMA = 2048
_GA = _B // _BMA

_NC = 2
_NS = 16
_NW = _NC * _NS
_PTS = _B // _NW


def _pass_a_body(dp_ref, cent_ref, cos_ref, idx_ref, best_ref, dist_ref):
    dp = dp_ref[...]
    cent = cent_ref[...]
    num = lax.dot_general(dp, cent, (((1,), (1,)), ((), ())),
                          preferred_element_type=jnp.float32,
                          precision=lax.Precision.DEFAULT)
    dn2 = jnp.sum(dp * dp, axis=1, keepdims=True)
    cn2 = jnp.sum(cent * cent, axis=1)
    inv_dn = 1.0 / jnp.maximum(jnp.sqrt(dn2), 1e-4)
    cn = jnp.maximum(jnp.sqrt(cn2), 1e-4)
    inv_cn = 1.0 / cn
    scaled = num * inv_cn[None, :]
    ms = jnp.max(scaled, axis=1, keepdims=True)
    onehot = (scaled == ms).astype(jnp.bfloat16)
    kio = lax.broadcasted_iota(jnp.int32, (1, _K), 1)
    khi = (kio >> 5).astype(jnp.float32)
    klo = (kio & 31).astype(jnp.float32)
    w3 = jnp.concatenate([khi, klo, cn2[None, :]], axis=0).astype(jnp.bfloat16)
    res = lax.dot_general(onehot, w3, (((1,), (1,)), ((), ())),
                          preferred_element_type=jnp.float32)
    idx_f = res[:, 0] * 32.0 + res[:, 1]
    idx = jnp.minimum(idx_f, float(_K - 1)).astype(jnp.int32)
    cn2_at = res[:, 2]
    cos_ref[...] = (scaled * inv_dn).astype(jnp.bfloat16)
    num_at = ms[:, 0] * jnp.maximum(jnp.sqrt(cn2_at), 1e-4)
    sq = dn2[:, 0] + cn2_at - 2.0 * num_at
    dist = jnp.sqrt(jnp.maximum(sq, 1e-12))
    idx_ref[0, 0, :] = idx
    best_ref[0, 0, :] = ms[:, 0] * inv_dn[:, 0]
    dist_ref[0, 0, :] = dist


def _pass_a(dp, cent):
    return pl.pallas_call(
        _pass_a_body,
        grid=(_GA,),
        in_specs=[
            pl.BlockSpec((_BMA, _D), lambda i: (i, 0)),
            pl.BlockSpec((_K, _D), lambda i: (0, 0)),
        ],
        out_specs=[
            pl.BlockSpec((_BMA, _K), lambda i: (i, 0)),
            pl.BlockSpec((1, 1, _BMA), lambda i: (i, 0, 0)),
            pl.BlockSpec((1, 1, _BMA), lambda i: (i, 0, 0)),
            pl.BlockSpec((1, 1, _BMA), lambda i: (i, 0, 0)),
        ],
        out_shape=[
            jax.ShapeDtypeStruct((_B, _K), jnp.bfloat16),
            jax.ShapeDtypeStruct((_GA, 1, _BMA), jnp.int32),
            jax.ShapeDtypeStruct((_GA, 1, _BMA), jnp.float32),
            jax.ShapeDtypeStruct((_GA, 1, _BMA), jnp.float32),
        ],
    )(dp, cent)


def _sc_hist(idx, dist, best):
    mesh = plsc.VectorSubcoreMesh(core_axis_name="c", subcore_axis_name="s")

    @functools.partial(
        pl.kernel, mesh=mesh,
        out_type=jax.ShapeDtypeStruct((_NC, 4, _K), jnp.float32),
        scratch_types=[
            pltpu.VMEM((_PTS,), jnp.int32),
            pltpu.VMEM((_PTS,), jnp.float32),
            pltpu.VMEM((_PTS,), jnp.float32),
            pltpu.VMEM((_PTS,), jnp.float32),
            pltpu.VMEM((_K,), jnp.float32),
            pltpu.VMEM_SHARED((_K,), jnp.float32),
            pltpu.VMEM_SHARED((_K,), jnp.float32),
            pltpu.VMEM_SHARED((_K,), jnp.float32),
        ],
    )
    def k(idx_hbm, dist_hbm, best_hbm, out_hbm, idx_v, dist_v, best_v,
          ones_v, zer_v, sh_cnt, sh_sum, sh_best):
        c = lax.axis_index("c")
        s = lax.axis_index("s")
        wid = c * _NS + s
        base = wid * _PTS
        pltpu.sync_copy(idx_hbm.at[pl.ds(base, _PTS)], idx_v)
        pltpu.sync_copy(dist_hbm.at[pl.ds(base, _PTS)], dist_v)
        pltpu.sync_copy(best_hbm.at[pl.ds(base, _PTS)], best_v)
        for i in range(_PTS // 16):
            ones_v[pl.ds(i * 16, 16)] = jnp.ones((16,), jnp.float32)

        @pl.when(s == 0)
        def _zero():
            for i in range(_K // 16):
                zer_v[pl.ds(i * 16, 16)] = jnp.zeros((16,), jnp.float32)
            pltpu.sync_copy(zer_v, sh_cnt)
            pltpu.sync_copy(zer_v, sh_sum)
            pltpu.sync_copy(zer_v, sh_best)
            pltpu.sync_copy(zer_v, out_hbm.at[c, 3])

        plsc.subcore_barrier()
        pltpu.sync_copy(ones_v, sh_cnt.at[idx_v], add=True)
        pltpu.sync_copy(dist_v, sh_sum.at[idx_v], add=True)
        pltpu.sync_copy(best_v, sh_best.at[idx_v], add=True)
        plsc.subcore_barrier()

        @pl.when(s == 0)
        def _emit():
            pltpu.sync_copy(sh_cnt, out_hbm.at[c, 0])
            pltpu.sync_copy(sh_sum, out_hbm.at[c, 1])
            pltpu.sync_copy(sh_best, out_hbm.at[c, 2])

    return k(idx, dist, best)


def _pass_c_body(cos_ref, part_ref, out_ref):
    i = pl.program_id(0)
    cnt = part_ref[0, 0, :] + part_ref[1, 0, :]
    l2 = part_ref[0, 1, :] + part_ref[1, 1, :]
    bs = part_ref[0, 2, :] + part_ref[1, 2, :]
    scnt = jnp.where(cnt == 0.0, 1.0, cnt)
    phi = (l2 / scnt) / jnp.log(scnt + _SMOOTH)
    zmask = jnp.where(cnt == 0.0, -10000.0, 0.0)
    col2 = _LOG2E / (phi + zmask)
    zm2 = zmask * _LOG2E
    smooth2 = zm2[None, :] + cos_ref[...].astype(jnp.float32) * col2[None, :]
    m2 = jnp.max(smooth2, axis=1, keepdims=True)
    e2 = jnp.exp2(smooth2 - m2)
    logz = (m2[:, 0] + jnp.log2(jnp.sum(e2, axis=1))) * _LN2
    part = jnp.sum(logz)

    @pl.when(i == 0)
    def _init():
        picked_sum = jnp.sum(jnp.where(cnt == 0.0, 0.0, bs / phi))
        out_ref[0, 0] = -picked_sum / _B

    out_ref[0, 0] += part / _B


def _pass_c(cos, partials):
    return pl.pallas_call(
        _pass_c_body,
        grid=(_GB,),
        in_specs=[
            pl.BlockSpec((_BM, _K), lambda i: (i, 0)),
            pl.BlockSpec((_NC, 4, _K), lambda i: (0, 0, 0)),
        ],
        out_specs=pl.BlockSpec(memory_space=pltpu.SMEM),
        out_shape=jax.ShapeDtypeStruct((1, 1), jnp.float32),
    )(cos, partials)


def kernel(datapoints, centroid):
    cos, idx3, best3, dist3 = _pass_a(datapoints, centroid)
    idx = idx3.reshape(_B)
    dist = dist3.reshape(_B)
    best = best3.reshape(_B)
    partials = _sc_hist(idx, dist, best)
    loss = _pass_c(cos, partials)
    return loss.reshape(())

# --- scband reference (transcript-rebuilt; emitter-appended) ---
"""Pipeline reference for scband-kmeans-cluster-30047591202834 (READ-ONLY COPY).

The authoritative reference and input builder live on the scoring server;
editing this copy changes nothing except your own understanding.
"""

import jax, jax.numpy as jnp
import numpy as np

B = 4096
K = 1024
D = 256
PROTO_SMOOTH = 10.0


def setup_inputs(seed: int = 0) -> dict:
    key = jax.random.key(seed)
    k1, k2 = jax.random.split(key)
    datapoints = jax.random.normal(k1, (B, D), dtype=jnp.float32)
    centroid = jax.random.normal(k2, (K, D), dtype=jnp.float32)
    return {"datapoints": datapoints, "centroid": centroid}


def _cosine_sim(dp, cent):
    # torch.nn.CosineSimilarity(dim=-1) with eps=1e-8, temp=1
    num = dp @ cent.T
    dn = jnp.linalg.norm(dp, axis=-1)
    cn = jnp.linalg.norm(cent, axis=-1)
    denom = jnp.maximum(dn[:, None] * cn[None, :], 1e-8)
    return num / denom


def reference(datapoints, centroid):
    # Faithful JAX translation of kmeans_cluster.ProtoNCE_loss
    k = centroid.shape[0]
    intra_cos_sim = _cosine_sim(datapoints, centroid)  # [B, K]
    dp_index = jnp.argmax(intra_cos_sim, axis=-1)       # [B]
    onehot = jax.nn.one_hot(dp_index, k, dtype=jnp.float32)  # [B, K]
    index_dp = onehot.T                                  # [K, B]
    # L2 distance uses self.centroid.data (detached in torch)
    cent_d = jax.lax.stop_gradient(centroid)
    sq = (jnp.sum(datapoints ** 2, axis=-1)[None, :]
          + jnp.sum(cent_d ** 2, axis=-1)[:, None]
          - 2.0 * (cent_d @ datapoints.T))               # [K, B]
    dist_dp_centroid = jnp.sqrt(jnp.maximum(sq, 1e-12))  # [K, B]
    l2_dist = jnp.sum(index_dp * dist_dp_centroid, axis=-1)  # [K]
    member_count = jnp.sum(index_dp, axis=-1)                 # [K]
    smooth_member_count = jnp.where(member_count == 0, 1.0, member_count)
    avg_l2_dist = l2_dist / smooth_member_count
    centroid_phi = avg_l2_dist / jnp.log(smooth_member_count + PROTO_SMOOTH)  # [K]
    zero_mask = jnp.where(member_count == 0, -10000.0, 0.0)  # [K]
    zero_mask_b = jnp.broadcast_to(zero_mask[None, :], intra_cos_sim.shape)
    phi_b = jnp.broadcast_to(centroid_phi[None, :], intra_cos_sim.shape)
    # torch.addcdiv(zero_mask, intra_cos_sim, centroid_phi + zero_mask)
    smooth_cos_sim = zero_mask_b + intra_cos_sim / (phi_b + zero_mask_b)
    # CrossEntropyLoss(smooth_cos_sim, dp_index), mean reduction
    logz = jax.nn.logsumexp(smooth_cos_sim, axis=-1)
    picked = jnp.take_along_axis(smooth_cos_sim, dp_index[:, None], axis=1)[:, 0]
    loss = jnp.mean(logz - picked)
    return loss

if __name__ == "__main__":
    import jax
    _d = setup_inputs()
    print(jax.jit(kernel)(*tuple(_d.values())))

</pallas_src>

<mosaic_0001>
#map = affine_map<(d0, d1) -> (0)>
#map1 = affine_map<(d0, d1) -> (0, 0, 0)>
module attributes {stable_mosaic.version = 14 : i64} {
  func.func @k(%arg0: i32, %arg1: i32, %arg2: memref<4096xi32, #tpu.memory_space<hbm>>, %arg3: memref<4096xf32, #tpu.memory_space<hbm>>, %arg4: memref<4096xf32, #tpu.memory_space<hbm>>, %arg5: memref<2x4x1024xf32, #tpu.memory_space<hbm>>, %arg6: memref<128xi32, #tpu.memory_space<vmem>>, %arg7: memref<128xf32, #tpu.memory_space<vmem>>, %arg8: memref<128xf32, #tpu.memory_space<vmem>>, %arg9: memref<128xf32, #tpu.memory_space<vmem>>, %arg10: memref<1024xf32, #tpu.memory_space<vmem>>, %arg11: memref<1024xf32, #tpu.memory_space<vmem_shared>>, %arg12: memref<1024xf32, #tpu.memory_space<vmem_shared>>, %arg13: memref<1024xf32, #tpu.memory_space<vmem_shared>>) attributes {dimension_semantics = [#tpu.dimension_semantics<core_parallel>, #tpu.dimension_semantics<subcore_parallel>], iteration_bounds = array<i64: 2, 16>, scalar_prefetch = 0 : i64, scratch_operands = 8 : i64, tpu.core_type = #tpu.core_type<sc_vector_subcore>, window_params = [{transform_indices = #map}, {transform_indices = #map}, {transform_indices = #map}, {transform_indices = #map1}]} {
    %mul3A = arith.constant 16 : i32
    %mul3A_0 = arith.muli %arg0, %mul3A : i32
    %add3A = arith.addi %mul3A_0, %arg1 : i32
    %mul3A_1 = arith.constant 128 : i32
    %mul3A_2 = arith.muli %add3A, %mul3A_1 : i32
    "tpu.region"() ({
      %run_scoped3A = tpu.sem_alloc : memref<!tpu.dma_semaphore, #tpu.memory_space<semaphore_mem>>
      %dma_start3A = tpu.memref_slice %arg2[%mul3A_2] : memref<4096xi32, #tpu.memory_space<hbm>> -> memref<128xi32, #tpu.memory_space<hbm>>
      %dma_start3A_57 = tpu.memref_slice %arg2[%mul3A_2] : memref<4096xi32, #tpu.memory_space<hbm>> -> memref<128xi32, #tpu.memory_space<hbm>>
      tpu.enqueue_dma source(%dma_start3A_57 : memref<128xi32, #tpu.memory_space<hbm>>) target(%arg6 : memref<128xi32, #tpu.memory_space<vmem>>) target_semaphore(%run_scoped3A : memref<!tpu.dma_semaphore, #tpu.memory_space<semaphore_mem>>)
      %dma_wait3A = tpu.memref_slice %arg2[%mul3A_2] : memref<4096xi32, #tpu.memory_space<hbm>> -> memref<128xi32, #tpu.memory_space<hbm>>
      %dma_wait3A_58 = tpu.memref_slice %arg2[%mul3A_2] : memref<4096xi32, #tpu.memory_space<hbm>> -> memref<128xi32, #tpu.memory_space<hbm>>
      tpu.wait_dma2 semaphore(%run_scoped3A : memref<!tpu.dma_semaphore, #tpu.memory_space<semaphore_mem>>) src(%dma_wait3A_58 : memref<128xi32, #tpu.memory_space<hbm>>) dst(%arg6 : memref<128xi32, #tpu.memory_space<vmem>>)
      tpu.yield
    }) : () -> ()
    "tpu.region"() ({
      %run_scoped3A = tpu.sem_alloc : memref<!tpu.dma_semaphore, #tpu.memory_space<semaphore_mem>>
      %dma_start3A = tpu.memref_slice %arg3[%mul3A_2] : memref<4096xf32, #tpu.memory_space<hbm>> -> memref<128xf32, #tpu.memory_space<hbm>>
      %dma_start3A_57 = tpu.memref_slice %arg3[%mul3A_2] : memref<4096xf32, #tpu.memory_space<hbm>> -> memref<128xf32, #tpu.memory_space<hbm>>
      tpu.enqueue_dma source(%dma_start3A_57 : memref<128xf32, #tpu.memory_space<hbm>>) target(%arg7 : memref<128xf32, #tpu.memory_space<vmem>>) target_semaphore(%run_scoped3A : memref<!tpu.dma_semaphore, #tpu.memory_space<semaphore_mem>>)
      %dma_wait3A = tpu.memref_slice %arg3[%mul3A_2] : memref<4096xf32, #tpu.memory_space<hbm>> -> memref<128xf32, #tpu.memory_space<hbm>>
      %dma_wait3A_58 = tpu.memref_slice %arg3[%mul3A_2] : memref<4096xf32, #tpu.memory_space<hbm>> -> memref<128xf32, #tpu.memory_space<hbm>>
      tpu.wait_dma2 semaphore(%run_scoped3A : memref<!tpu.dma_semaphore, #tpu.memory_space<semaphore_mem>>) src(%dma_wait3A_58 : memref<128xf32, #tpu.memory_space<hbm>>) dst(%arg7 : memref<128xf32, #tpu.memory_space<vmem>>)
      tpu.yield
    }) : () -> ()
    "tpu.region"() ({
      %run_scoped3A = tpu.sem_alloc : memref<!tpu.dma_semaphore, #tpu.memory_space<semaphore_mem>>
      %dma_start3A = tpu.memref_slice %arg4[%mul3A_2] : memref<4096xf32, #tpu.memory_space<hbm>> -> memref<128xf32, #tpu.memory_space<hbm>>
      %dma_start3A_57 = tpu.memref_slice %arg4[%mul3A_2] : memref<4096xf32, #tpu.memory_space<hbm>> -> memref<128xf32, #tpu.memory_space<hbm>>
      tpu.enqueue_dma source(%dma_start3A_57 : memref<128xf32, #tpu.memory_space<hbm>>) target(%arg8 : memref<128xf32, #tpu.memory_space<vmem>>) target_semaphore(%run_scoped3A : memref<!tpu.dma_semaphore, #tpu.memory_space<semaphore_mem>>)
      %dma_wait3A = tpu.memref_slice %arg4[%mul3A_2] : memref<4096xf32, #tpu.memory_space<hbm>> -> memref<128xf32, #tpu.memory_space<hbm>>
      %dma_wait3A_58 = tpu.memref_slice %arg4[%mul3A_2] : memref<4096xf32, #tpu.memory_space<hbm>> -> memref<128xf32, #tpu.memory_space<hbm>>
      tpu.wait_dma2 semaphore(%run_scoped3A : memref<!tpu.dma_semaphore, #tpu.memory_space<semaphore_mem>>) src(%dma_wait3A_58 : memref<128xf32, #tpu.memory_space<hbm>>) dst(%arg8 : memref<128xf32, #tpu.memory_space<vmem>>)
      tpu.yield
    }) : () -> ()
    %broadcast_in_dim3A = arith.constant 1.000000e+00 : f32
    %broadcast_in_dim3A_3 = vector.broadcast %broadcast_in_dim3A : f32 to vector<16xf32>
    %swap3A = arith.constant 0 : index
    %swap3A_4 = tpu.vector_load %arg9[%swap3A] {strides = array<i32>} : memref<128xf32, #tpu.memory_space<vmem>>, vector<16xf32>,
    %swap3A_5 = vector.shape_cast %swap3A_4 : vector<16xf32> to vector<16xf32>
    %swap3A_6 = vector.shape_cast %broadcast_in_dim3A_3 : vector<16xf32> to vector<16xf32>
    tpu.vector_store %arg9[%swap3A], %swap3A_6 {strides = array<i32>} : memref<128xf32, #tpu.memory_space<vmem>>, vector<16xf32>,
    %broadcast_in_dim3A_7 = arith.constant 1.000000e+00 : f32
    %broadcast_in_dim3A_8 = vector.broadcast %broadcast_in_dim3A_7 : f32 to vector<16xf32>
    %swap3A_9 = arith.constant 16 : index
    %swap3A_10 = tpu.vector_load %arg9[%swap3A_9] {strides = array<i32>} : memref<128xf32, #tpu.memory_space<vmem>>, vector<16xf32>,
    %swap3A_11 = vector.shape_cast %swap3A_10 : vector<16xf32> to vector<16xf32>
    %swap3A_12 = vector.shape_cast %broadcast_in_dim3A_8 : vector<16xf32> to vector<16xf32>
    tpu.vector_store %arg9[%swap3A_9], %swap3A_12 {strides = array<i32>} : memref<128xf32, #tpu.memory_space<vmem>>, vector<16xf32>,
    %broadcast_in_dim3A_13 = arith.constant 1.000000e+00 : f32
    %broadcast_in_dim3A_14 = vector.broadcast %broadcast_in_dim3A_13 : f32 to vector<16xf32>
    %swap3A_15 = arith.constant 32 : index
    %swap3A_16 = tpu.vector_load %arg9[%swap3A_15] {strides = array<i32>} : memref<128xf32, #tpu.memory_space<vmem>>, vector<16xf32>,
    %swap3A_17 = vector.shape_cast %swap3A_16 : vector<16xf32> to vector<16xf32>
    %swap3A_18 = vector.shape_cast %broadcast_in_dim3A_14 : vector<16xf32> to vector<16xf32>
    tpu.vector_store %arg9[%swap3A_15], %swap3A_18 {strides = array<i32>} : memref<128xf32, #tpu.memory_space<vmem>>, vector<16xf32>,
    %broadcast_in_dim3A_19 = arith.constant 1.000000e+00 : f32
    %broadcast_in_dim3A_20 = vector.broadcast %broadcast_in_dim3A_19 : f32 to vector<16xf32>
    %swap3A_21 = arith.constant 48 : index
    %swap3A_22 = tpu.vector_load %arg9[%swap3A_21] {strides = array<i32>} : memref<128xf32, #tpu.memory_space<vmem>>, vector<16xf32>,
    %swap3A_23 = vector.shape_cast %swap3A_22 : vector<16xf32> to vector<16xf32>
    %swap3A_24 = vector.shape_cast %broadcast_in_dim3A_20 : vector<16xf32> to vector<16xf32>
    tpu.vector_store %arg9[%swap3A_21], %swap3A_24 {strides = array<i32>} : memref<128xf32, #tpu.memory_space<vmem>>, vector<16xf32>,
    %broadcast_in_dim3A_25 = arith.constant 1.000000e+00 : f32
    %broadcast_in_dim3A_26 = vector.broadcast %broadcast_in_dim3A_25 : f32 to vector<16xf32>
    %swap3A_27 = arith.constant 64 : index
    %swap3A_28 = tpu.vector_load %arg9[%swap3A_27] {strides = array<i32>} : memref<128xf32, #tpu.memory_space<vmem>>, vector<16xf32>,
    %swap3A_29 = vector.shape_cast %swap3A_28 : vector<16xf32> to vector<16xf32>
    %swap3A_30 = vector.shape_cast %broadcast_in_dim3A_26 : vector<16xf32> to vector<16xf32>
    tpu.vector_store %arg9[%swap3A_27], %swap3A_30 {strides = array<i32>} : memref<128xf32, #tpu.memory_space<vmem>>, vector<16xf32>,
    %broadcast_in_dim3A_31 = arith.constant 1.000000e+00 : f32
    %broadcast_in_dim3A_32 = vector.broadcast %broadcast_in_dim3A_31 : f32 to vector<16xf32>
    %swap3A_33 = arith.constant 80 : index
    %swap3A_34 = tpu.vector_load %arg9[%swap3A_33] {strides = array<i32>} : memref<128xf32, #tpu.memory_space<vmem>>, vector<16xf32>,
    %swap3A_35 = vector.shape_cast %swap3A_34 : vector<16xf32> to vector<16xf32>
    %swap3A_36 = vector.shape_cast %broadcast_in_dim3A_32 : vector<16xf32> to vector<16xf32>
    tpu.vector_store %arg9[%swap3A_33], %swap3A_36 {strides = array<i32>} : memref<128xf32, #tpu.memory_space<vmem>>, vector<16xf32>,
    %broadcast_in_dim3A_37 = arith.constant 1.000000e+00 : f32
    %broadcast_in_dim3A_38 = vector.broadcast %broadcast_in_dim3A_37 : f32 to vector<16xf32>
    %swap3A_39 = arith.constant 96 : index
    %swap3A_40 = tpu.vector_load %arg9[%swap3A_39] {strides = array<i32>} : memref<128xf32, #tpu.memory_space<vmem>>, vector<16xf32>,
    %swap3A_41 = vector.shape_cast %swap3A_40 : vector<16xf32> to vector<16xf32>
    %swap3A_42 = vector.shape_cast %broadcast_in_dim3A_38 : vector<16xf32> to vector<16xf32>
    tpu.vector_store %arg9[%swap3A_39], %swap3A_42 {strides = array<i32>} : memref<128xf32, #tpu.memory_space<vmem>>, vector<16xf32>,
    %broadcast_in_dim3A_43 = arith.constant 1.000000e+00 : f32
    %broadcast_in_dim3A_44 = vector.broadcast %broadcast_in_dim3A_43 : f32 to vector<16xf32>
    %swap3A_45 = arith.constant 112 : index
    %swap3A_46 = tpu.vector_load %arg9[%swap3A_45] {strides = array<i32>} : memref<128xf32, #tpu.memory_space<vmem>>, vector<16xf32>,
    %swap3A_47 = vector.shape_cast %swap3A_46 : vector<16xf32> to vector<16xf32>
    %swap3A_48 = vector.shape_cast %broadcast_in_dim3A_44 : vector<16xf32> to vector<16xf32>
    tpu.vector_store %arg9[%swap3A_45], %swap3A_48 {strides = array<i32>} : memref<128xf32, #tpu.memory_space<vmem>>, vector<16xf32>,
    %eq3A = arith.constant 0 : i32
    %eq3A_49 = arith.cmpi eq, %arg1, %eq3A : i32
    %convert_element_type3A = arith.extui %eq3A_49 : i1 to i32
    %cond3A = arith.constant 0 : i32
    %cond3A_50 = arith.cmpi ne, %convert_element_type3A, %cond3A : i32
    scf.if %cond3A_50 {
      %broadcast_in_dim3A_57 = arith.constant 0.000000e+00 : f32
      %broadcast_in_dim3A_58 = vector.broadcast %broadcast_in_dim3A_57 : f32 to vector<16xf32>
      %swap3A_59 = arith.constant 0 : index
      %swap3A_60 = tpu.vector_load %arg10[%swap3A_59] {strides = array<i32>} : memref<1024xf32, #tpu.memory_space<vmem>>, vector<16xf32>,
      %swap3A_61 = vector.shape_cast %swap3A_60 : vector<16xf32> to vector<16xf32>
      %swap3A_62 = vector.shape_cast %broadcast_in_dim3A_58 : vector<16xf32> to vector<16xf32>
      tpu.vector_store %arg10[%swap3A_59], %swap3A_62 {strides = array<i32>} : memref<1024xf32, #tpu.memory_space<vmem>>, vector<16xf32>,
      %broadcast_in_dim3A_63 = arith.constant 0.000000e+00 : f32
      %broadcast_in_dim3A_64 = vector.broadcast %broadcast_in_dim3A_63 : f32 to vector<16xf32>
      %swap3A_65 = arith.constant 16 : index
      %swap3A_66 = tpu.vector_load %arg10[%swap3A_65] {strides = array<i32>} : memref<1024xf32, #tpu.memory_space<vmem>>, vector<16xf32>,
      %swap3A_67 = vector.shape_cast %swap3A_66 : vector<16xf32> to vector<16xf32>
      %swap3A_68 = vector.shape_cast %broadcast_in_dim3A_64 : vector<16xf32> to vector<16xf32>
      tpu.vector_store %arg10[%swap3A_65], %swap3A_68 {strides = array<i32>} : memref<1024xf32, #tpu.memory_space<vmem>>, vector<16xf32>,
      %broadcast_in_dim3A_69 = arith.constant 0.000000e+00 : f32
      %broadcast_in_dim3A_70 = vector.broadcast %broadcast_in_dim3A_69 : f32 to vector<16xf32>
      %swap3A_71 = arith.constant 32 : index
      %swap3A_72 = tpu.vector_load %arg10[%swap3A_71] {strides = array<i32>} : memref<1024xf32, #tpu.memory_space<vmem>>, vector<16xf32>,
      %swap3A_73 = vector.shape_cast %swap3A_72 : vector<16xf32> to vector<16xf32>
      %swap3A_74 = vector.shape_cast %broadcast_in_dim3A_70 : vector<16xf32> to vector<16xf32>
      tpu.vector_store %arg10[%swap3A_71], %swap3A_74 {strides = array<i32>} : memref<1024xf32, #tpu.memory_space<vmem>>, vector<16xf32>,
      %broadcast_in_dim3A_75 = arith.constant 0.000000e+00 : f32
      %broadcast_in_dim3A_76 = vector.broadcast %broadcast_in_dim3A_75 : f32 to vector<16xf32>
      %swap3A_77 = arith.constant 48 : index
      %swap3A_78 = tpu.vector_load %arg10[%swap3A_77] {strides = array<i32>} : memref<1024xf32, #tpu.memory_space<vmem>>, vector<16xf32>,
      %swap3A_79 = vector.shape_cast %swap3A_78 : vector<16xf32> to vector<16xf32>
      %swap3A_80 = vector.shape_cast %broadcast_in_dim3A_76 : vector<16xf32> to vector<16xf32>
      tpu.vector_store %arg10[%swap3A_77], %swap3A_80 {strides = array<i32>} : memref<1024xf32, #tpu.memory_space<vmem>>, vector<16xf32>,
      %broadcast_in_dim3A_81 = arith.constant 0.000000e+00 : f32
      %broadcast_in_dim3A_82 = vector.broadcast %broadcast_in_dim3A_81 : f32 to vector<16xf32>
      %swap3A_83 = arith.constant 64 : index
      %swap3A_84 = tpu.vector_load %arg10[%swap3A_83] {strides = array<i32>} : memref<1024xf32, #tpu.memory_space<vmem>>, vector<16xf32>,
      %swap3A_85 = vector.shape_cast %swap3A_84 : vector<16xf32> to vector<16xf32>
      %swap3A_86 = vector.shape_cast %broadcast_in_dim3A_82 : vector<16xf32> to vector<16xf32>
      tpu.vector_store %arg10[%swap3A_83], %swap3A_86 {strides = array<i32>} : memref<1024xf32, #tpu.memory_space<vmem>>, vector<16xf32>,
      %broadcast_in_dim3A_87 = arith.constant 0.000000e+00 : f32
      %broadcast_in_dim3A_88 = vector.broadcast %broadcast_in_dim3A_87 : f32 to vector<16xf32>
      %swap3A_89 = arith.constant 80 : index
      %swap3A_90 = tpu.vector_load %arg10[%swap3A_89] {strides = array<i32>} : memref<1024xf32, #tpu.memory_space<vmem>>, vector<16xf32>,
      %swap3A_91 = vector.shape_cast %swap3A_90 : vector<16xf32> to vector<16xf32>
      %swap3A_92 = vector.shape_cast %broadcast_in_dim3A_88 : vector<16xf32> to vector<16xf32>
      tpu.vector_store %arg10[%swap3A_89], %swap3A_92 {strides = array<i32>} : memref<1024xf32, #tpu.memory_space<vmem>>, vector<16xf32>,
      %broadcast_in_dim3A_93 = arith.constant 0.000000e+00 : f32
      %broadcast_in_dim3A_94 = vector.broadcast %broadcast_in_dim3A_93 : f32 to vector<16xf32>
      %swap3A_95 = arith.constant 96 : index
      %swap3A_96 = tpu.vector_load %arg10[%swap3A_95] {strides = array<i32>} : memref<1024xf32, #tpu.memory_space<vmem>>, vector<16xf32>,
      %swap3A_97 = vector.shape_cast %swap3A_96 : vector<16xf32> to vector<16xf32>
      %swap3A_98 = vector.shape_cast %broadcast_in_dim3A_94 : vector<16xf32> to vector<16xf32>
      tpu.vector_store %arg10[%swap3A_95], %swap3A_98 {strides = array<i32>} : memref<1024xf32, #tpu.memory_space<vmem>>, vector<16xf32>,
      %broadcast_in_dim3A_99 = arith.constant 0.000000e+00 : f32
      %broadcast_in_dim3A_100 = vector.broadcast %broadcast_in_dim3A_99 : f32 to vector<16xf32>
      %swap3A_101 = arith.constant 112 : index
      %swap3A_102 = tpu.vector_load %arg10[%swap3A_101] {strides = array<i32>} : memref<1024xf32, #tpu.memory_space<vmem>>, vector<16xf32>,
      %swap3A_103 = vector.shape_cast %swap3A_102 : vector<16xf32> to vector<16xf32>
      %swap3A_104 = vector.shape_cast %broadcast_in_dim3A_100 : vector<16xf32> to vector<16xf32>
      tpu.vector_store %arg10[%swap3A_101], %swap3A_104 {strides = array<i32>} : memref<1024xf32, #tpu.memory_space<vmem>>, vector<16xf32>,
      %broadcast_in_dim3A_105 = arith.constant 0.000000e+00 : f32
      %broadcast_in_dim3A_106 = vector.broadcast %broadcast_in_dim3A_105 : f32 to vector<16xf32>
      %swap3A_107 = arith.constant 128 : index
      %swap3A_108 = tpu.vector_load %arg10[%swap3A_107] {strides = array<i32>} : memref<1024xf32, #tpu.memory_space<vmem>>, vector<16xf32>,
      %swap3A_109 = vector.shape_cast %swap3A_108 : vector<16xf32> to vector<16xf32>
      %swap3A_110 = vector.shape_cast %broadcast_in_dim3A_106 : vector<16xf32> to vector<16xf32>
      tpu.vector_store %arg10[%swap3A_107], %swap3A_110 {strides = array<i32>} : memref<1024xf32, #tpu.memory_space<vmem>>, vector<16xf32>,
      %broadcast_in_dim3A_111 = arith.constant 0.000000e+00 : f32
      %broadcast_in_dim3A_112 = vector.broadcast %broadcast_in_dim3A_111 : f32 to vector<16xf32>
      %swap3A_113 = arith.constant 144 : index
      %swap3A_114 = tpu.vector_load %arg10[%swap3A_113] {strides = array<i32>} : memref<1024xf32, #tpu.memory_space<vmem>>, vector<16xf32>,
      %swap3A_115 = vector.shape_cast %swap3A_114 : vector<16xf32> to vector<16xf32>
      %swap3A_116 = vector.shape_cast %broadcast_in_dim3A_112 : vector<16xf32> to vector<16xf32>
      tpu.vector_store %arg10[%swap3A_113], %swap3A_116 {strides = array<i32>} : memref<1024xf32, #tpu.memory_space<vmem>>, vector<16xf32>,
      %broadcast_in_dim3A_117 = arith.constant 0.000000e+00 : f32
      %broadcast_in_dim3A_118 = vector.broadcast %broadcast_in_dim3A_117 : f32 to vector<16xf32>
      %swap3A_119 = arith.constant 160 : index
      %swap3A_120 = tpu.vector_load %arg10[%swap3A_119] {strides = array<i32>} : memref<1024xf32, #tpu.memory_space<vmem>>, vector<16xf32>,
      %swap3A_121 = vector.shape_cast %swap3A_120 : vector<16xf32> to vector<16xf32>
      %swap3A_122 = vector.shape_cast %broadcast_in_dim3A_118 : vector<16xf32> to vector<16xf32>
      tpu.vector_store %arg10[%swap3A_119], %swap3A_122 {strides = array<i32>} : memref<1024xf32, #tpu.memory_space<vmem>>, vector<16xf32>,
      %broadcast_in_dim3A_123 = arith.constant 0.000000e+00 : f32
      %broadcast_in_dim3A_124 = vector.broadcast %broadcast_in_dim3A_123 : f32 to vector<16xf32>
      %swap3A_125 = arith.constant 176 : index
      %swap3A_126 = tpu.vector_load %arg10[%swap3A_125] {strides = array<i32>} : memref<1024xf32, #tpu.memory_space<vmem>>, vector<16xf32>,
      %swap3A_127 = vector.shape_cast %swap3A_126 : vector<16xf32> to vector<16xf32>
      %swap3A_128 = vector.shape_cast %broadcast_in_dim3A_124 : vector<16xf32> to vector<16xf32>
      tpu.vector_store %arg10[%swap3A_125], %swap3A_128 {strides = array<i32>} : memref<1024xf32, #tpu.memory_space<vmem>>, vector<16xf32>,
      %broadcast_in_dim3A_129 = arith.constant 0.000000e+00 : f32
      %broadcast_in_dim3A_130 = vector.broadcast %broadcast_in_dim3A_129 : f32 to vector<16xf32>
      %swap3A_131 = arith.constant 192 : index
      %swap3A_132 = tpu.vector_load %arg10[%swap3A_131] {strides = array<i32>} : memref<1024xf32, #tpu.memory_space<vmem>>, vector<16xf32>,
      %swap3A_133 = vector.shape_cast %swap3A_132 : vector<16xf32> to vector<16xf32>
      %swap3A_134 = vector.shape_cast %broadcast_in_dim3A_130 : vector<16xf32> to vector<16xf32>
      tpu.vector_store %arg10[%swap3A_131], %swap3A_134 {strides = array<i32>} : memref<1024xf32, #tpu.memory_space<vmem>>, vector<16xf32>,
      %broadcast_in_dim3A_135 = arith.constant 0.000000e+00 : f32
      %broadcast_in_dim3A_136 = vector.broadcast %broadcast_in_dim3A_135 : f32 to vector<16xf32>
      %swap3A_137 = arith.constant 208 : index
      %swap3A_138 = tpu.vector_load %arg10[%swap3A_137] {strides = array<i32>} : memref<1024xf32, #tpu.memory_space<vmem>>, vector<16xf32>,
      %swap3A_139 = vector.shape_cast %swap3A_138 : vector<16xf32> to vector<16xf32>
      %swap3A_140 = vector.shape_cast %broadcast_in_dim3A_136 : vector<16xf32> to vector<16xf32>
      tpu.vector_store %arg10[%swap3A_137], %swap3A_140 {strides = array<i32>} : memref<1024xf32, #tpu.memory_space<vmem>>, vector<16xf32>,
      %broadcast_in_dim3A_141 = arith.constant 0.000000e+00 : f32
      %broadcast_in_dim3A_142 = vector.broadcast %broadcast_in_dim3A_141 : f32 to vector<16xf32>
      %swap3A_143 = arith.constant 224 : index
      %swap3A_144 = tpu.vector_load %arg10[%swap3A_143] {strides = array<i32>} : memref<1024xf32, #tpu.memory_space<vmem>>, vector<16xf32>,
      %swap3A_145 = vector.shape_cast %swap3A_144 : vector<16xf32> to vector<16xf32>
      %swap3A_146 = vector.shape_cast %broadcast_in_dim3A_142 : vector<16xf32> to vector<16xf32>
      tpu.vector_store %arg10[%swap3A_143], %swap3A_146 {strides = array<i32>} : memref<1024xf32, #tpu.memory_space<vmem>>, vector<16xf32>,
      %broadcast_in_dim3A_147 = arith.constant 0.000000e+00 : f32
      %broadcast_in_dim3A_148 = vector.broadcast %broadcast_in_dim3A_147 : f32 to vector<16xf32>
      %swap3A_149 = arith.constant 240 : index
      %swap3A_150 = tpu.vector_load %arg10[%swap3A_149] {strides = array<i32>} : memref<1024xf32, #tpu.memory_space<vmem>>, vector<16xf32>,
      %swap3A_151 = vector.shape_cast %swap3A_150 : vector<16xf32> to vector<16xf32>
      %swap3A_152 = vector.shape_cast %broadcast_in_dim3A_148 : vector<16xf32> to vector<16xf32>
      tpu.vector_store %arg10[%swap3A_149], %swap3A_152 {strides = array<i32>} : memref<1024xf32, #tpu.memory_space<vmem>>, vector<16xf32>,
      %broadcast_in_dim3A_153 = arith.constant 0.000000e+00 : f32
      %broadcast_in_dim3A_154 = vector.broadcast %broadcast_in_dim3A_153 : f32 to vector<16xf32>
      %swap3A_155 = arith.constant 256 : index
      %swap3A_156 = tpu.vector_load %arg10[%swap3A_155] {strides = array<i32>} : memref<1024xf32, #tpu.memory_space<vmem>>, vector<16xf32>,
      %swap3A_157 = vector.shape_cast %swap3A_156 : vector<16xf32> to vector<16xf32>
      %swap3A_158 = vector.shape_cast %broadcast_in_dim3A_154 : vector<16xf32> to vector<16xf32>
      tpu.vector_store %arg10[%swap3A_155], %swap3A_158 {strides = array<i32>} : memref<1024xf32, #tpu.memory_space<vmem>>, vector<16xf32>,
      %broadcast_in_dim3A_159 = arith.constant 0.000000e+00 : f32
      %broadcast_in_dim3A_160 = vector.broadcast %broadcast_in_dim3A_159 : f32 to vector<16xf32>
      %swap3A_161 = arith.constant 272 : index
      %swap3A_162 = tpu.vector_load %arg10[%swap3A_161] {strides = array<i32>} : memref<1024xf32, #tpu.memory_space<vmem>>, vector<16xf32>,
      %swap3A_163 = vector.shape_cast %swap3A_162 : vector<16xf32> to vector<16xf32>
      %swap3A_164 = vector.shape_cast %broadcast_in_dim3A_160 : vector<16xf32> to vector<16xf32>
      tpu.vector_store %arg10[%swap3A_161], %swap3A_164 {strides = array<i32>} : memref<1024xf32, #tpu.memory_space<vmem>>, vector<16xf32>,
      %broadcast_in_dim3A_165 = arith.constant 0.000000e+00 : f32
      %broadcast_in_dim3A_166 = vector.broadcast %broadcast_in_dim3A_165 : f32 to vector<16xf32>
      %swap3A_167 = arith.constant 288 : index
      %swap3A_168 = tpu.vector_load %arg10[%swap3A_167] {strides = array<i32>} : memref<1024xf32, #tpu.memory_space<vmem>>, vector<16xf32>,
      %swap3A_169 = vector.shape_cast %swap3A_168 : vector<16xf32> to vector<16xf32>
      %swap3A_170 = vector.shape_cast %broadcast_in_dim3A_166 : vector<16xf32> to vector<16xf32>
      tpu.vector_store %arg10[%swap3A_167], %swap3A_170 {strides = array<i32>} : memref<1024xf32, #tpu.memory_space<vmem>>, vector<16xf32>,
      %broadcast_in_dim3A_171 = arith.constant 0.000000e+00 : f32
      %broadcast_in_dim3A_172 = vector.broadcast %broadcast_in_dim3A_171 : f32 to vector<16xf32>
      %swap3A_173 = arith.constant 304 : index
      %swap3A_174 = tpu.vector_load %arg10[%swap3A_173] {strides = array<i32>} : memref<1024xf32, #tpu.memory_space<vmem>>, vector<16xf32>,
      %swap3A_175 = vector.shape_cast %swap3A_174 : vector<16xf32> to vector<16xf32>
      %swap3A_176 = vector.shape_cast %broadcast_in_dim3A_172 : vector<16xf32> to vector<16xf32>
      tpu.vector_store %arg10[%swap3A_173], %swap3A_176 {strides = array<i32>} : memref<1024xf32, #tpu.memory_space<vmem>>, vector<16xf32>,
      %broadcast_in_dim3A_177 = arith.constant 0.000000e+00 : f32
      %broadcast_in_dim3A_178 = vector.broadcast %broadcast_in_dim3A_177 : f32 to vector<16xf32>
      %swap3A_179 = arith.constant 320 : index
      %swap3A_180 = tpu.vector_load %arg10[%swap3A_179] {strides = array<i32>} : memref<1024xf32, #tpu.memory_space<vmem>>, vector<16xf32>,
      %swap3A_181 = vector.shape_cast %swap3A_180 : vector<16xf32> to vector<16xf32>
      %swap3A_182 = vector.shape_cast %broadcast_in_dim3A_178 : vector<16xf32> to vector<16xf32>
      tpu.vector_store %arg10[%swap3A_179], %swap3A_182 {strides = array<i32>} : memref<1024xf32, #tpu.memory_space<vmem>>, vector<16xf32>,
      %broadcast_in_dim3A_183 = arith.constant 0.000000e+00 : f32
      %broadcast_in_dim3A_184 = vector.broadcast %broadcast_in_dim3A_183 : f32 to vector<16xf32>
      %swap3A_185 = arith.constant 336 : index
      %swap3A_186 = tpu.vector_load %arg10[%swap3A_185] {strides = array<i32>} : memref<1024xf32, #tpu.memory_space<vmem>>, vector<16xf32>,
      %swap3A_187 = vector.shape_cast %swap3A_186 : vector<16xf32> to vector<16xf32>
      %swap3A_188 = vector.shape_cast %broadcast_in_dim3A_184 : vector<16xf32> to vector<16xf32>
      tpu.vector_store %arg10[%swap3A_185], %swap3A_188 {strides = array<i32>} : memref<1024xf32, #tpu.memory_space<vmem>>, vector<16xf32>,
      %broadcast_in_dim3A_189 = arith.constant 0.000000e+00 : f32
      %broadcast_in_dim3A_190 = vector.broadcast %broadcast_in_dim3A_189 : f32 to vector<16xf32>
      %swap3A_191 = arith.constant 352 : index
      %swap3A_192 = tpu.vector_load %arg10[%swap3A_191] {strides = array<i32>} : memref<1024xf32, #tpu.memory_space<vmem>>, vector<16xf32>,
      %swap3A_193 = vector.shape_cast %swap3A_192 : vector<16xf32> to vector<16xf32>
      %swap3A_194 = vector.shape_cast %broadcast_in_dim3A_190 : vector<16xf32> to vector<16xf32>
      tpu.vector_store %arg10[%swap3A_191], %swap3A_194 {strides = array<i32>} : memref<1024xf32, #tpu.memory_space<vmem>>, vector<16xf32>,
      %broadcast_in_dim3A_195 = arith.constant 0.000000e+00 : f32
      %broadcast_in_dim3A_196 = vector.broadcast %broadcast_in_dim3A_195 : f32 to vector<16xf32>
      %swap3A_197 = arith.constant 368 : index
      %swap3A_198 = tpu.vector_load %arg10[%swap3A_197] {strides = array<i32>} : memref<1024xf32, #tpu.memory_space<vmem>>, vector<16xf32>,
      %swap3A_199 = vector.shape_cast %swap3A_198 : vector<16xf32> to vector<16xf32>
      %swap3A_200 = vector.shape_cast %broadcast_in_dim3A_196 : vector<16xf32> to vector<16xf32>
      tpu.vector_store %arg10[%swap3A_197], %swap3A_200 {strides = array<i32>} : memref<1024xf32, #tpu.memory_space<vmem>>, vector<16xf32>,
      %broadcast_in_dim3A_201 = arith.constant 0.000000e+00 : f32
      %broadcast_in_dim3A_202 = vector.broadcast %broadcast_in_dim3A_201 : f32 to vector<16xf32>
      %swap3A_203 = arith.constant 384 : index
      %swap3A_204 = tpu.vector_load %arg10[%swap3A_203] {strides = array<i32>} : memref<1024xf32, #tpu.memory_space<vmem>>, vector<16xf32>,
      %swap3A_205 = vector.shape_cast %swap3A_204 : vector<16xf32> to vector<16xf32>
      %swap3A_206 = vector.shape_cast %broadcast_in_dim3A_202 : vector<16xf32> to vector<16xf32>
      tpu.vector_store %arg10[%swap3A_203], %swap3A_206 {strides = array<i32>} : memref<1024xf32, #tpu.memory_space<vmem>>, vector<16xf32>,
      %broadcast_in_dim3A_207 = arith.constant 0.000000e+00 : f32
      %broadcast_in_dim3A_208 = vector.broadcast %broadcast_in_dim3A_207 : f32 to vector<16xf32>
      %swap3A_209 = arith.constant 400 : index
      %swap3A_210 = tpu.vector_load %arg10[%swap3A_209] {strides = array<i32>} : memref<1024xf32, #tpu.memory_space<vmem>>, vector<16xf32>,
      %swap3A_211 = vector.shape_cast %swap3A_210 : vector<16xf32> to vector<16xf32>
      %swap3A_212 = vector.shape_cast %broadcast_in_dim3A_208 : vector<16xf32> to vector<16xf32>
      tpu.vector_store %arg10[%swap3A_209], %swap3A_212 {strides = array<i32>} : memref<1024xf32, #tpu.memory_space<vmem>>, vector<16xf32>,
      %broadcast_in_dim3A_213 = arith.constant 0.000000e+00 : f32
      %broadcast_in_dim3A_214 = vector.broadcast %broadcast_in_dim3A_213 : f32 to vector<16xf32>
      %swap3A_215 = arith.constant 416 : index
      %swap3A_216 = tpu.vector_load %arg10[%swap3A_215] {strides = array<i32>} : memref<1024xf32, #tpu.memory_space<vmem>>, vector<16xf32>,
      %swap3A_217 = vector.shape_cast %swap3A_216 : vector<16xf32> to vector<16xf32>
      %swap3A_218 = vector.shape_cast %broadcast_in_dim3A_214 : vector<16xf32> to vector<16xf32>
      tpu.vector_store %arg10[%swap3A_215], %swap3A_218 {strides = array<i32>} : memref<1024xf32, #tpu.memory_space<vmem>>, vector<16xf32>,
      %broadcast_in_dim3A_219 = arith.constant 0.000000e+00 : f32
      %broadcast_in_dim3A_220 = vector.broadcast %broadcast_in_dim3A_219 : f32 to vector<16xf32>
      %swap3A_221 = arith.constant 432 : index
      %swap3A_222 = tpu.vector_load %arg10[%swap3A_221] {strides = array<i32>} : memref<1024xf32, #tpu.memory_space<vmem>>, vector<16xf32>,
      %swap3A_223 = vector.shape_cast %swap3A_222 : vector<16xf32> to vector<16xf32>
      %swap3A_224 = vector.shape_cast %broadcast_in_dim3A_220 : vector<16xf32> to vector<16xf32>
      tpu.vector_store %arg10[%swap3A_221], %swap3A_224 {strides = array<i32>} : memref<1024xf32, #tpu.memory_space<vmem>>, vector<16xf32>,
      %broadcast_in_dim3A_225 = arith.constant 0.000000e+00 : f32
      %broadcast_in_dim3A_226 = vector.broadcast %broadcast_in_dim3A_225 : f32 to vector<16xf32>
      %swap3A_227 = arith.constant 448 : index
      %swap3A_228 = tpu.vector_load %arg10[%swap3A_227] {strides = array<i32>} : memref<1024xf32, #tpu.memory_space<vmem>>, vector<16xf32>,
      %swap3A_229 = vector.shape_cast %swap3A_228 : vector<16xf32> to vector<16xf32>
      %swap3A_230 = vector.shape_cast %broadcast_in_dim3A_226 : vector<16xf32> to vector<16xf32>
      tpu.vector_store %arg10[%swap3A_227], %swap3A_230 {strides = array<i32>} : memref<1024xf32, #tpu.memory_space<vmem>>, vector<16xf32>,
      %broadcast_in_dim3A_231 = arith.constant 0.000000e+00 : f32
      %broadcast_in_dim3A_232 = vector.broadcast %broadcast_in_dim3A_231 : f32 to vector<16xf32>
      %swap3A_233 = arith.constant 464 : index
      %swap3A_234 = tpu.vector_load %arg10[%swap3A_233] {strides = array<i32>} : memref<1024xf32, #tpu.memory_space<vmem>>, vector<16xf32>,
      %swap3A_235 = vector.shape_cast %swap3A_234 : vector<16xf32> to vector<16xf32>
      %swap3A_236 = vector.shape_cast %broadcast_in_dim3A_232 : vector<16xf32> to vector<16xf32>
      tpu.vector_store %arg10[%swap3A_233], %swap3A_236 {strides = array<i32>} : memref<1024xf32, #tpu.memory_space<vmem>>, vector<16xf32>,
      %broadcast_in_dim3A_237 = arith.constant 0.000000e+00 : f32
      %broadcast_in_dim3A_238 = vector.broadcast %broadcast_in_dim3A_237 : f32 to vector<16xf32>
      %swap3A_239 = arith.constant 480 : index
      %swap3A_240 = tpu.vector_load %arg10[%swap3A_239] {strides = array<i32>} : memref<1024xf32, #tpu.memory_space<vmem>>, vector<16xf32>,
      %swap3A_241 = vector.shape_cast %swap3A_240 : vector<16xf32> to vector<16xf32>
      %swap3A_242 = vector.shape_cast %broadcast_in_dim3A_238 : vector<16xf32> to vector<16xf32>
      tpu.vector_store %arg10[%swap3A_239], %swap3A_242 {strides = array<i32>} : memref<1024xf32, #tpu.memory_space<vmem>>, vector<16xf32>,
      %broadcast_in_dim3A_243 = arith.constant 0.000000e+00 : f32
      %broadcast_in_dim3A_244 = vector.broadcast %broadcast_in_dim3A_243 : f32 to vector<16xf32>
      %swap3A_245 = arith.constant 496 : index
      %swap3A_246 = tpu.vector_load %arg10[%swap3A_245] {strides = array<i32>} : memref<1024xf32, #tpu.memory_space<vmem>>, vector<16xf32>,
      %swap3A_247 = vector.shape_cast %swap3A_246 : vector<16xf32> to vector<16xf32>
      %swap3A_248 = vector.shape_cast %broadcast_in_dim3A_244 : vector<16xf32> to vector<16xf32>
      tpu.vector_store %arg10[%swap3A_245], %swap3A_248 {strides = array<i32>} : memref<1024xf32, #tpu.memory_space<vmem>>, vector<16xf32>,
      %broadcast_in_dim3A_249 = arith.constant 0.000000e+00 : f32
      %broadcast_in_dim3A_250 = vector.broadcast %broadcast_in_dim3A_249 : f32 to vector<16xf32>
      %swap3A_251 = arith.constant 512 : index
      %swap3A_252 = tpu.vector_load %arg10[%swap3A_251] {strides = array<i32>} : memref<1024xf32, #tpu.memory_space<vmem>>, vector<16xf32>,
      %swap3A_253 = vector.shape_cast %swap3A_252 : vector<16xf32> to vector<16xf32>
      %swap3A_254 = vector.shape_cast %broadcast_in_dim3A_250 : vector<16xf32> to vector<16xf32>
      tpu.vector_store %arg10[%swap3A_251], %swap3A_254 {strides = array<i32>} : memref<1024xf32, #tpu.memory_space<vmem>>, vector<16xf32>,
      %broadcast_in_dim3A_255 = arith.constant 0.000000e+00 : f32
      %broadcast_in_dim3A_256 = vector.broadcast %broadcast_in_dim3A_255 : f32 to vector<16xf32>
      %swap3A_257 = arith.constant 528 : index
      %swap3A_258 = tpu.vector_load %arg10[%swap3A_257] {strides = array<i32>} : memref<1024xf32, #tpu.memory_space<vmem>>, vector<16xf32>,
      %swap3A_259 = vector.shape_cast %swap3A_258 : vector<16xf32> to vector<16xf32>
      %swap3A_260 = vector.shape_cast %broadcast_in_dim3A_256 : vector<16xf32> to vector<16xf32>
      tpu.vector_store %arg10[%swap3A_257], %swap3A_260 {strides = array<i32>} : memref<1024xf32, #tpu.memory_space<vmem>>, vector<16xf32>,
      %broadcast_in_dim3A_261 = arith.constant 0.000000e+00 : f32
      %broadcast_in_dim3A_262 = vector.broadcast %broadcast_in_dim3A_261 : f32 to vector<16xf32>
      %swap3A_263 = arith.constant 544 : index
      %swap3A_264 = tpu.vector_load %arg10[%swap3A_263] {strides = array<i32>} : memref<1024xf32, #tpu.memory_space<vmem>>, vector<16xf32>,
      %swap3A_265 = vector.shape_cast %swap3A_264 : vector<16xf32> to vector<16xf32>
      %swap3A_266 = vector.shape_cast %broadcast_in_dim3A_262 : vector<16xf32> to vector<16xf32>
      tpu.vector_store %arg10[%swap3A_263], %swap3A_266 {strides = array<i32>} : memref<1024xf32, #tpu.memory_space<vmem>>, vector<16xf32>,
      %broadcast_in_dim3A_267 = arith.constant 0.000000e+00 : f32
      %broadcast_in_dim3A_268 = vector.broadcast %broadcast_in_dim3A_267 : f32 to vector<16xf32>
      %swap3A_269 = arith.constant 560 : index
      %swap3A_270 = tpu.vector_load %arg10[%swap3A_269] {strides = array<i32>} : memref<1024xf32, #tpu.memory_space<vmem>>, vector<16xf32>,
      %swap3A_271 = vector.shape_cast %swap3A_270 : vector<16xf32> to vector<16xf32>
      %swap3A_272 = vector.shape_cast %broadcast_in_dim3A_268 : vector<16xf32> to vector<16xf32>
      tpu.vector_store %arg10[%swap3A_269], %swap3A_272 {strides = array<i32>} : memref<1024xf32, #tpu.memory_space<vmem>>, vector<16xf32>,
      %broadcast_in_dim3A_273 = arith.constant 0.000000e+00 : f32
      %broadcast_in_dim3A_274 = vector.broadcast %broadcast_in_dim3A_273 : f32 to vector<16xf32>
      %swap3A_275 = arith.constant 576 : index
      %swap3A_276 = tpu.vector_load %arg10[%swap3A_275] {strides = array<i32>} : memref<1024xf32, #tpu.memory_space<vmem>>, vector<16xf32>,
      %swap3A_277 = vector.shape_cast %swap3A_276 : vector<16xf32> to vector<16xf32>
      %swap3A_278 = vector.shape_cast %broadcast_in_dim3A_274 : vector<16xf32> to vector<16xf32>
      tpu.vector_store %arg10[%swap3A_275], %swap3A_278 {strides = array<i32>} : memref<1024xf32, #tpu.memory_space<vmem>>, vector<16xf32>,
      %broadcast_in_dim3A_279 = arith.constant 0.000000e+00 : f32
      %broadcast_in_dim3A_280 = vector.broadcast %broadcast_in_dim3A_279 : f32 to vector<16xf32>
      %swap3A_281 = arith.constant 592 : index
      %swap3A_282 = tpu.vector_load %arg10[%swap3A_281] {strides = array<i32>} : memref<1024xf32, #tpu.memory_space<vmem>>, vector<16xf32>,
      %swap3A_283 = vector.shape_cast %swap3A_282 : vector<16xf32> to vector<16xf32>
      %swap3A_284 = vector.shape_cast %broadcast_in_dim3A_280 : vector<16xf32> to vector<16xf32>
      tpu.vector_store %arg10[%swap3A_281], %swap3A_284 {strides = array<i32>} : memref<1024xf32, #tpu.memory_space<vmem>>, vector<16xf32>,
      %broadcast_in_dim3A_285 = arith.constant 0.000000e+00 : f32
      %broadcast_in_dim3A_286 = vector.broadcast %broadcast_in_dim3A_285 : f32 to vector<16xf32>
      %swap3A_287 = arith.constant 608 : index
      %swap3A_288 = tpu.vector_load %arg10[%swap3A_287] {strides = array<i32>} : memref<1024xf32, #tpu.memory_space<vmem>>, vector<16xf32>,
      %swap3A_289 = vector.shape_cast %swap3A_288 : vector<16xf32> to vector<16xf32>
      %swap3A_290 = vector.shape_cast %broadcast_in_dim3A_286 : vector<16xf32> to vector<16xf32>
      tpu.vector_store %arg10[%swap3A_287], %swap3A_290 {strides = array<i32>} : memref<1024xf32, #tpu.memory_space<vmem>>, vector<16xf32>,
      %broadcast_in_dim3A_291 = arith.constant 0.000000e+00 : f32
      %broadcast_in_dim3A_292 = vector.broadcast %broadcast_in_dim3A_291 : f32 to vector<16xf32>
      %swap3A_293 = arith.constant 624 : index
      %swap3A_294 = tpu.vector_load %arg10[%swap3A_293] {strides = array<i32>} : memref<1024xf32, #tpu.memory_space<vmem>>, vector<16xf32>,
      %swap3A_295 = vector.shape_cast %swap3A_294 : vector<16xf32> to vector<16xf32>
      %swap3A_296 = vector.shape_cast %broadcast_in_dim3A_292 : vector<16xf32> to vector<16xf32>
      tpu.vector_store %arg10[%swap3A_293], %swap3A_296 {strides = array<i32>} : memref<1024xf32, #tpu.memory_space<vmem>>, vector<16xf32>,
      %broadcast_in_dim3A_297 = arith.constant 0.000000e+00 : f32
      %broadcast_in_dim3A_298 = vector.broadcast %broadcast_in_dim3A_297 : f32 to vector<16xf32>
      %swap3A_299 = arith.constant 640 : index
      %swap3A_300 = tpu.vector_load %arg10[%swap3A_299] {strides = array<i32>} : memref<1024xf32, #tpu.memory_space<vmem>>, vector<16xf32>,
      %swap3A_301 = vector.shape_cast %swap3A_300 : vector<16xf32> to vector<16xf32>
      %swap3A_302 = vector.shape_cast %broadcast_in_dim3A_298 : vector<16xf32> to vector<16xf32>
      tpu.vector_store %arg10[%swap3A_299], %swap3A_302 {strides = array<i32>} : memref<1024xf32, #tpu.memory_space<vmem>>, vector<16xf32>,
      %broadcast_in_dim3A_303 = arith.constant 0.000000e+00 : f32
      %broadcast_in_dim3A_304 = vector.broadcast %broadcast_in_dim3A_303 : f32 to vector<16xf32>
      %swap3A_305 = arith.constant 656 : index
      %swap3A_306 = tpu.vector_load %arg10[%swap3A_305] {strides = array<i32>} : memref<1024xf32, #tpu.memory_space<vmem>>, vector<16xf32>,
      %swap3A_307 = vector.shape_cast %swap3A_306 : vector<16xf32> to vector<16xf32>
      %swap3A_308 = vector.shape_cast %broadcast_in_dim3A_304 : vector<16xf32> to vector<16xf32>
      tpu.vector_store %arg10[%swap3A_305], %swap3A_308 {strides = array<i32>} : memref<1024xf32, #tpu.memory_space<vmem>>, vector<16xf32>,
      %broadcast_in_dim3A_309 = arith.constant 0.000000e+00 : f32
      %broadcast_in_dim3A_310 = vector.broadcast %broadcast_in_dim3A_309 : f32 to vector<16xf32>
      %swap3A_311 = arith.constant 672 : index
      %swap3A_312 = tpu.vector_load %arg10[%swap3A_311] {strides = array<i32>} : memref<1024xf32, #tpu.memory_space<vmem>>, vector<16xf32>,
      %swap3A_313 = vector.shape_cast %swap3A_312 : vector<16xf32> to vector<16xf32>
      %swap3A_314 = vector.shape_cast %broadcast_in_dim3A_310 : vector<16xf32> to vector<16xf32>
      tpu.vector_store %arg10[%swap3A_311], %swap3A_314 {strides = array<i32>} : memref<1024xf32, #tpu.memory_space<vmem>>, vector<16xf32>,
      %broadcast_in_dim3A_315 = arith.constant 0.000000e+00 : f32
      %broadcast_in_dim3A_316 = vector.broadcast %broadcast_in_dim3A_315 : f32 to vector<16xf32>
      %swap3A_317 = arith.constant 688 : index
      %swap3A_318 = tpu.vector_load %arg10[%swap3A_317] {strides = array<i32>} : memref<1024xf32, #tpu.memory_space<vmem>>, vector<16xf32>,
      %swap3A_319 = vector.shape_cast %swap3A_318 : vector<16xf32> to vector<16xf32>
      %swap3A_320 = vector.shape_cast %broadcast_in_dim3A_316 : vector<16xf32> to vector<16xf32>
      tpu.vector_store %arg10[%swap3A_317], %swap3A_320 {strides = array<i32>} : memref<1024xf32, #tpu.memory_space<vmem>>, vector<16xf32>,
      %broadcast_in_dim3A_321 = arith.constant 0.000000e+00 : f32
      %broadcast_in_dim3A_322 = vector.broadcast %broadcast_in_dim3A_321 : f32 to vector<16xf32>
      %swap3A_323 = arith.constant 704 : index
      %swap3A_324 = tpu.vector_load %arg10[%swap3A_323] {strides = array<i32>} : memref<1024xf32, #tpu.memory_space<vmem>>, vector<16xf32>,
      %swap3A_325 = vector.shape_cast %swap3A_324 : vector<16xf32> to vector<16xf32>
      %swap3A_326 = vector.shape_cast %broadcast_in_dim3A_322 : vector<16xf32> to vector<16xf32>
      tpu.vector_store %arg10[%swap3A_323], %swap3A_326 {strides = array<i32>} : memref<1024xf32, #tpu.memory_space<vmem>>, vector<16xf32>,
      %broadcast_in_dim3A_327 = arith.constant 0.000000e+00 : f32
      %broadcast_in_dim3A_328 = vector.broadcast %broadcast_in_dim3A_327 : f32 to vector<16xf32>
      %swap3A_329 = arith.constant 720 : index
      %swap3A_330 = tpu.vector_load %arg10[%swap3A_329] {strides = array<i32>} : memref<1024xf32, #tpu.memory_space<vmem>>, vector<16xf32>,
      %swap3A_331 = vector.shape_cast %swap3A_330 : vector<16xf32> to vector<16xf32>
      %swap3A_332 = vector.shape_cast %broadcast_in_dim3A_328 : vector<16xf32> to vector<16xf32>
      tpu.vector_store %arg10[%swap3A_329], %swap3A_332 {strides = array<i32>} : memref<1024xf32, #tpu.memory_space<vmem>>, vector<16xf32>,
      %broadcast_in_dim3A_333 = arith.constant 0.000000e+00 : f32
      %broadcast_in_dim3A_334 = vector.broadcast %broadcast_in_dim3A_333 : f32 to vector<16xf32>
      %swap3A_335 = arith.constant 736 : index
      %swap3A_336 = tpu.vector_load %arg10[%swap3A_335] {strides = array<i32>} : memref<1024xf32, #tpu.memory_space<vmem>>, vector<16xf32>,
      %swap3A_337 = vector.shape_cast %swap3A_336 : vector<16xf32> to vector<16xf32>
      %swap3A_338 = vector.shape_cast %broadcast_in_dim3A_334 : vector<16xf32> to vector<16xf32>
      tpu.vector_store %arg10[%swap3A_335], %swap3A_338 {strides = array<i32>} : memref<1024xf32, #tpu.memory_space<vmem>>, vector<16xf32>,
      %broadcast_in_dim3A_339 = arith.constant 0.000000e+00 : f32
      %broadcast_in_dim3A_340 = vector.broadcast %broadcast_in_dim3A_339 : f32 to vector<16xf32>
      %swap3A_341 = arith.constant 752 : index
      %swap3A_342 = tpu.vector_load %arg10[%swap3A_341] {strides = array<i32>} : memref<1024xf32, #tpu.memory_space<vmem>>, vector<16xf32>,
      %swap3A_343 = vector.shape_cast %swap3A_342 : vector<16xf32> to vector<16xf32>
      %swap3A_344 = vector.shape_cast %broadcast_in_dim3A_340 : vector<16xf32> to vector<16xf32>
      tpu.vector_store %arg10[%swap3A_341], %swap3A_344 {strides = array<i32>} : memref<1024xf32, #tpu.memory_space<vmem>>, vector<16xf32>,
      %broadcast_in_dim3A_345 = arith.constant 0.000000e+00 : f32
      %broadcast_in_dim3A_346 = vector.broadcast %broadcast_in_dim3A_345 : f32 to vector<16xf32>
      %swap3A_347 = arith.constant 768 : index
      %swap3A_348 = tpu.vector_load %arg10[%swap3A_347] {strides = array<i32>} : memref<1024xf32, #tpu.memory_space<vmem>>, vector<16xf32>,
      %swap3A_349 = vector.shape_cast %swap3A_348 : vector<16xf32> to vector<16xf32>
      %swap3A_350 = vector.shape_cast %broadcast_in_dim3A_346 : vector<16xf32> to vector<16xf32>
      tpu.vector_store %arg10[%swap3A_347], %swap3A_350 {strides = array<i32>} : memref<1024xf32, #tpu.memory_space<vmem>>, vector<16xf32>,
      %broadcast_in_dim3A_351 = arith.constant 0.000000e+00 : f32
      %broadcast_in_dim3A_352 = vector.broadcast %broadcast_in_dim3A_351 : f32 to vector<16xf32>
      %swap3A_353 = arith.constant 784 : index
      %swap3A_354 = tpu.vector_load %arg10[%swap3A_353] {strides = array<i32>} : memref<1024xf32, #tpu.memory_space<vmem>>, vector<16xf32>,
      %swap3A_355 = vector.shape_cast %swap3A_354 : vector<16xf32> to vector<16xf32>
      %swap3A_356 = vector.shape_cast %broadcast_in_dim3A_352 : vector<16xf32> to vector<16xf32>
      tpu.vector_store %arg10[%swap3A_353], %swap3A_356 {strides = array<i32>} : memref<1024xf32, #tpu.memory_space<vmem>>, vector<16xf32>,
      %broadcast_in_dim3A_357 = arith.constant 0.000000e+00 : f32
      %broadcast_in_dim3A_358 = vector.broadcast %broadcast_in_dim3A_357 : f32 to vector<16xf32>
      %swap3A_359 = arith.constant 800 : index
      %swap3A_360 = tpu.vector_load %arg10[%swap3A_359] {strides = array<i32>} : memref<1024xf32, #tpu.memory_space<vmem>>, vector<16xf32>,
      %swap3A_361 = vector.shape_cast %swap3A_360 : vector<16xf32> to vector<16xf32>
      %swap3A_362 = vector.shape_cast %broadcast_in_dim3A_358 : vector<16xf32> to vector<16xf32>
      tpu.vector_store %arg10[%swap3A_359], %swap3A_362 {strides = array<i32>} : memref<1024xf32, #tpu.memory_space<vmem>>, vector<16xf32>,
      %broadcast_in_dim3A_363 = arith.constant 0.000000e+00 : f32
      %broadcast_in_dim3A_364 = vector.broadcast %broadcast_in_dim3A_363 : f32 to vector<16xf32>
      %swap3A_365 = arith.constant 816 : index
      %swap3A_366 = tpu.vector_load %arg10[%swap3A_365] {strides = array<i32>} : memref<1024xf32, #tpu.memory_space<vmem>>, vector<16xf32>,
      %swap3A_367 = vector.shape_cast %swap3A_366 : vector<16xf32> to vector<16xf32>
      %swap3A_368 = vector.shape_cast %broadcast_in_dim3A_364 : vector<16xf32> to vector<16xf32>
      tpu.vector_store %arg10[%swap3A_365], %swap3A_368 {strides = array<i32>} : memref<1024xf32, #tpu.memory_space<vmem>>, vector<16xf32>,
      %broadcast_in_dim3A_369 = arith.constant 0.000000e+00 : f32
      %broadcast_in_dim3A_370 = vector.broadcast %broadcast_in_dim3A_369 : f32 to vector<16xf32>
      %swap3A_371 = arith.constant 832 : index
      %swap3A_372 = tpu.vector_load %arg10[%swap3A_371] {strides = array<i32>} : memref<1024xf32, #tpu.memory_space<vmem>>, vector<16xf32>,
      %swap3A_373 = vector.shape_cast %swap3A_372 : vector<16xf32> to vector<16xf32>
      %swap3A_374 = vector.shape_cast %broadcast_in_dim3A_370 : vector<16xf32> to vector<16xf32>
      tpu.vector_store %arg10[%swap3A_371], %swap3A_374 {strides = array<i32>} : memref<1024xf32, #tpu.memory_space<vmem>>, vector<16xf32>,
      %broadcast_in_dim3A_375 = arith.constant 0.000000e+00 : f32
      %broadcast_in_dim3A_376 = vector.broadcast %broadcast_in_dim3A_375 : f32 to vector<16xf32>
      %swap3A_377 = arith.constant 848 : index
      %swap3A_378 = tpu.vector_load %arg10[%swap3A_377] {strides = array<i32>} : memref<1024xf32, #tpu.memory_space<vmem>>, vector<16xf32>,
      %swap3A_379 = vector.shape_cast %swap3A_378 : vector<16xf32> to vector<16xf32>
      %swap3A_380 = vector.shape_cast %broadcast_in_dim3A_376 : vector<16xf32> to vector<16xf32>
      tpu.vector_store %arg10[%swap3A_377], %swap3A_380 {strides = array<i32>} : memref<1024xf32, #tpu.memory_space<vmem>>, vector<16xf32>,
      %broadcast_in_dim3A_381 = arith.constant 0.000000e+00 : f32
      %broadcast_in_dim3A_382 = vector.broadcast %broadcast_in_dim3A_381 : f32 to vector<16xf32>
      %swap3A_383 = arith.constant 864 : index
      %swap3A_384 = tpu.vector_load %arg10[%swap3A_383] {strides = array<i32>} : memref<1024xf32, #tpu.memory_space<vmem>>, vector<16xf32>,
      %swap3A_385 = vector.shape_cast %swap3A_384 : vector<16xf32> to vector<16xf32>
      %swap3A_386 = vector.shape_cast %broadcast_in_dim3A_382 : vector<16xf32> to vector<16xf32>
      tpu.vector_store %arg10[%swap3A_383], %swap3A_386 {strides = array<i32>} : memref<1024xf32, #tpu.memory_space<vmem>>, vector<16xf32>,
      %broadcast_in_dim3A_387 = arith.constant 0.000000e+00 : f32
      %broadcast_in_dim3A_388 = vector.broadcast %broadcast_in_dim3A_387 : f32 to vector<16xf32>
      %swap3A_389 = arith.constant 880 : index
      %swap3A_390 = tpu.vector_load %arg10[%swap3A_389] {strides = array<i32>} : memref<1024xf32, #tpu.memory_space<vmem>>, vector<16xf32>,
      %swap3A_391 = vector.shape_cast %swap3A_390 : vector<16xf32> to vector<16xf32>
      %swap3A_392 = vector.shape_cast %broadcast_in_dim3A_388 : vector<16xf32> to vector<16xf32>
      tpu.vector_store %arg10[%swap3A_389], %swap3A_392 {strides = array<i32>} : memref<1024xf32, #tpu.memory_space<vmem>>, vector<16xf32>,
      %broadcast_in_dim3A_393 = arith.constant 0.000000e+00 : f32
      %broadcast_in_dim3A_394 = vector.broadcast %broadcast_in_dim3A_393 : f32 to vector<16xf32>
      %swap3A_395 = arith.constant 896 : index
      %swap3A_396 = tpu.vector_load %arg10[%swap3A_395] {strides = array<i32>} : memref<1024xf32, #tpu.memory_space<vmem>>, vector<16xf32>,
      %swap3A_397 = vector.shape_cast %swap3A_396 : vector<16xf32> to vector<16xf32>
      %swap3A_398 = vector.shape_cast %broadcast_in_dim3A_394 : vector<16xf32> to vector<16xf32>
      tpu.vector_store %arg10[%swap3A_395], %swap3A_398 {strides = array<i32>} : memref<1024xf32, #tpu.memory_space<vmem>>, vector<16xf32>,
      %broadcast_in_dim3A_399 = arith.constant 0.000000e+00 : f32
      %broadcast_in_dim3A_400 = vector.broadcast %broadcast_in_dim3A_399 : f32 to vector<16xf32>
      %swap3A_401 = arith.constant 912 : index
      %swap3A_402 = tpu.vector_load %arg10[%swap3A_401] {strides = array<i32>} : memref<1024xf32, #tpu.memory_space<vmem>>, vector<16xf32>,
      %swap3A_403 = vector.shape_cast %swap3A_402 : vector<16xf32> to vector<16xf32>
      %swap3A_404 = vector.shape_cast %broadcast_in_dim3A_400 : vector<16xf32> to vector<16xf32>
      tpu.vector_store %arg10[%swap3A_401], %swap3A_404 {strides = array<i32>} : memref<1024xf32, #tpu.memory_space<vmem>>, vector<16xf32>,
      %broadcast_in_dim3A_405 = arith.constant 0.000000e+00 : f32
      %broadcast_in_dim3A_406 = vector.broadcast %broadcast_in_dim3A_405 : f32 to vector<16xf32>
      %swap3A_407 = arith.constant 928 : index
      %swap3A_408 = tpu.vector_load %arg10[%swap3A_407] {strides = array<i32>} : memref<1024xf32, #tpu.memory_space<vmem>>, vector<16xf32>,
      %swap3A_409 = vector.shape_cast %swap3A_408 : vector<16xf32> to vector<16xf32>
      %swap3A_410 = vector.shape_cast %broadcast_in_dim3A_406 : vector<16xf32> to vector<16xf32>
      tpu.vector_store %arg10[%swap3A_407], %swap3A_410 {strides = array<i32>} : memref<1024xf32, #tpu.memory_space<vmem>>, vector<16xf32>,
      %broadcast_in_dim3A_411 = arith.constant 0.000000e+00 : f32
      %broadcast_in_dim3A_412 = vector.broadcast %broadcast_in_dim3A_411 : f32 to vector<16xf32>
      %swap3A_413 = arith.constant 944 : index
      %swap3A_414 = tpu.vector_load %arg10[%swap3A_413] {strides = array<i32>} : memref<1024xf32, #tpu.memory_space<vmem>>, vector<16xf32>,
      %swap3A_415 = vector.shape_cast %swap3A_414 : vector<16xf32> to vector<16xf32>
      %swap3A_416 = vector.shape_cast %broadcast_in_dim3A_412 : vector<16xf32> to vector<16xf32>
      tpu.vector_store %arg10[%swap3A_413], %swap3A_416 {strides = array<i32>} : memref<1024xf32, #tpu.memory_space<vmem>>, vector<16xf32>,
      %broadcast_in_dim3A_417 = arith.constant 0.000000e+00 : f32
      %broadcast_in_dim3A_418 = vector.broadcast %broadcast_in_dim3A_417 : f32 to vector<16xf32>
      %swap3A_419 = arith.constant 960 : index
      %swap3A_420 = tpu.vector_load %arg10[%swap3A_419] {strides = array<i32>} : memref<1024xf32, #tpu.memory_space<vmem>>, vector<16xf32>,
      %swap3A_421 = vector.shape_cast %swap3A_420 : vector<16xf32> to vector<16xf32>
      %swap3A_422 = vector.shape_cast %broadcast_in_dim3A_418 : vector<16xf32> to vector<16xf32>
      tpu.vector_store %arg10[%swap3A_419], %swap3A_422 {strides = array<i32>} : memref<1024xf32, #tpu.memory_space<vmem>>, vector<16xf32>,
      %broadcast_in_dim3A_423 = arith.constant 0.000000e+00 : f32
      %broadcast_in_dim3A_424 = vector.broadcast %broadcast_in_dim3A_423 : f32 to vector<16xf32>
      %swap3A_425 = arith.constant 976 : index
      %swap3A_426 = tpu.vector_load %arg10[%swap3A_425] {strides = array<i32>} : memref<1024xf32, #tpu.memory_space<vmem>>, vector<16xf32>,
      %swap3A_427 = vector.shape_cast %swap3A_426 : vector<16xf32> to vector<16xf32>
      %swap3A_428 = vector.shape_cast %broadcast_in_dim3A_424 : vector<16xf32> to vector<16xf32>
      tpu.vector_store %arg10[%swap3A_425], %swap3A_428 {strides = array<i32>} : memref<1024xf32, #tpu.memory_space<vmem>>, vector<16xf32>,
      %broadcast_in_dim3A_429 = arith.constant 0.000000e+00 : f32
      %broadcast_in_dim3A_430 = vector.broadcast %broadcast_in_dim3A_429 : f32 to vector<16xf32>
      %swap3A_431 = arith.constant 992 : index
      %swap3A_432 = tpu.vector_load %arg10[%swap3A_431] {strides = array<i32>} : memref<1024xf32, #tpu.memory_space<vmem>>, vector<16xf32>,
      %swap3A_433 = vector.shape_cast %swap3A_432 : vector<16xf32> to vector<16xf32>
      %swap3A_434 = vector.shape_cast %broadcast_in_dim3A_430 : vector<16xf32> to vector<16xf32>
      tpu.vector_store %arg10[%swap3A_431], %swap3A_434 {strides = array<i32>} : memref<1024xf32, #tpu.memory_space<vmem>>, vector<16xf32>,
      %broadcast_in_dim3A_435 = arith.constant 0.000000e+00 : f32
      %broadcast_in_dim3A_436 = vector.broadcast %broadcast_in_dim3A_435 : f32 to vector<16xf32>
      %swap3A_437 = arith.constant 1008 : index
      %swap3A_438 = tpu.vector_load %arg10[%swap3A_437] {strides = array<i32>} : memref<1024xf32, #tpu.memory_space<vmem>>, vector<16xf32>,
      %swap3A_439 = vector.shape_cast %swap3A_438 : vector<16xf32> to vector<16xf32>
      %swap3A_440 = vector.shape_cast %broadcast_in_dim3A_436 : vector<16xf32> to vector<16xf32>
      tpu.vector_store %arg10[%swap3A_437], %swap3A_440 {strides = array<i32>} : memref<1024xf32, #tpu.memory_space<vmem>>, vector<16xf32>,
      "tpu.region"() ({
        %run_scoped3A_441 = tpu.sem_alloc : memref<!tpu.dma_semaphore, #tpu.memory_space<semaphore_mem>>
        tpu.enqueue_dma source(%arg10 : memref<1024xf32, #tpu.memory_space<vmem>>) target(%arg11 : memref<1024xf32, #tpu.memory_space<vmem_shared>>) target_semaphore(%run_scoped3A_441 : memref<!tpu.dma_semaphore, #tpu.memory_space<semaphore_mem>>)
        tpu.wait_dma2 semaphore(%run_scoped3A_441 : memref<!tpu.dma_semaphore, #tpu.memory_space<semaphore_mem>>) src(%arg10 : memref<1024xf32, #tpu.memory_space<vmem>>) dst(%arg11 : memref<1024xf32, #tpu.memory_space<vmem_shared>>)
        tpu.yield
      }) : () -> ()
      "tpu.region"() ({
        %run_scoped3A_441 = tpu.sem_alloc : memref<!tpu.dma_semaphore, #tpu.memory_space<semaphore_mem>>
        tpu.enqueue_dma source(%arg10 : memref<1024xf32, #tpu.memory_space<vmem>>) target(%arg12 : memref<1024xf32, #tpu.memory_space<vmem_shared>>) target_semaphore(%run_scoped3A_441 : memref<!tpu.dma_semaphore, #tpu.memory_space<semaphore_mem>>)
        tpu.wait_dma2 semaphore(%run_scoped3A_441 : memref<!tpu.dma_semaphore, #tpu.memory_space<semaphore_mem>>) src(%arg10 : memref<1024xf32, #tpu.memory_space<vmem>>) dst(%arg12 : memref<1024xf32, #tpu.memory_space<vmem_shared>>)
        tpu.yield
      }) : () -> ()
      "tpu.region"() ({
        %run_scoped3A_441 = tpu.sem_alloc : memref<!tpu.dma_semaphore, #tpu.memory_space<semaphore_mem>>
        tpu.enqueue_dma source(%arg10 : memref<1024xf32, #tpu.memory_space<vmem>>) target(%arg13 : memref<1024xf32, #tpu.memory_space<vmem_shared>>) target_semaphore(%run_scoped3A_441 : memref<!tpu.dma_semaphore, #tpu.memory_space<semaphore_mem>>)
        tpu.wait_dma2 semaphore(%run_scoped3A_441 : memref<!tpu.dma_semaphore, #tpu.memory_space<semaphore_mem>>) src(%arg10 : memref<1024xf32, #tpu.memory_space<vmem>>) dst(%arg13 : memref<1024xf32, #tpu.memory_space<vmem_shared>>)
        tpu.yield
      }) : () -> ()
      %run_scoped3A = arith.constant 3 : i32
      "tpu.region"() ({
        %run_scoped3A_441 = tpu.sem_alloc : memref<!tpu.dma_semaphore, #tpu.memory_space<semaphore_mem>>
        %dma_start3A = arith.constant 0 : i32
        %dma_start3A_442 = tpu.memref_slice %arg5[%arg0, %run_scoped3A, %dma_start3A] : memref<2x4x1024xf32, #tpu.memory_space<hbm>> -> memref<1x1x1024xf32, #tpu.memory_space<hbm>>
        %dma_start3A_443 = tpu.memref_squeeze %dma_start3A_442 : memref<1x1x1024xf32, #tpu.memory_space<hbm>> -> memref<1024xf32, #tpu.memory_space<hbm>>
        %dma_start3A_444 = arith.constant 0 : i32
        %dma_start3A_445 = tpu.memref_slice %arg5[%arg0, %run_scoped3A, %dma_start3A_444] : memref<2x4x1024xf32, #tpu.memory_space<hbm>> -> memref<1x1x1024xf32, #tpu.memory_space<hbm>>
        %dma_start3A_446 = tpu.memref_squeeze %dma_start3A_445 : memref<1x1x1024xf32, #tpu.memory_space<hbm>> -> memref<1024xf32, #tpu.memory_space<hbm>>
        tpu.enqueue_dma source(%arg10 : memref<1024xf32, #tpu.memory_space<vmem>>) target(%dma_start3A_446 : memref<1024xf32, #tpu.memory_space<hbm>>) target_semaphore(%run_scoped3A_441 : memref<!tpu.dma_semaphore, #tpu.memory_space<semaphore_mem>>)
        %dma_wait3A = arith.constant 0 : i32
        %dma_wait3A_447 = tpu.memref_slice %arg5[%arg0, %run_scoped3A, %dma_wait3A] : memref<2x4x1024xf32, #tpu.memory_space<hbm>> -> memref<1x1x1024xf32, #tpu.memory_space<hbm>>
        %dma_wait3A_448 = tpu.memref_squeeze %dma_wait3A_447 : memref<1x1x1024xf32, #tpu.memory_space<hbm>> -> memref<1024xf32, #tpu.memory_space<hbm>>
        %dma_wait3A_449 = arith.constant 0 : i32
        %dma_wait3A_450 = tpu.memref_slice %arg5[%arg0, %run_scoped3A, %dma_wait3A_449] : memref<2x4x1024xf32, #tpu.memory_space<hbm>> -> memref<1x1x1024xf32, #tpu.memory_space<hbm>>
        %dma_wait3A_451 = tpu.memref_squeeze %dma_wait3A_450 : memref<1x1x1024xf32, #tpu.memory_space<hbm>> -> memref<1024xf32, #tpu.memory_space<hbm>>
        tpu.wait_dma2 semaphore(%run_scoped3A_441 : memref<!tpu.dma_semaphore, #tpu.memory_space<semaphore_mem>>) src(%arg10 : memref<1024xf32, #tpu.memory_space<vmem>>) dst(%dma_wait3A_451 : memref<1024xf32, #tpu.memory_space<hbm>>)
        tpu.yield
      }) : () -> ()
    } else {
    }
    %barrier3A = arith.constant 0 : index
    tpu.barrier barrier_id(%barrier3A)
    "tpu.region"() ({
      %run_scoped3A = tpu.sem_alloc : memref<!tpu.dma_semaphore, #tpu.memory_space<semaphore_mem>>
      %dma_start3A = arith.constant 0 : i32
      %dma_start3A_57 = tpu.memref_slice %arg11[%dma_start3A] : memref<1024xf32, #tpu.memory_space<vmem_shared>> -> memref<1024xf32, #tpu.memory_space<vmem_shared>>
      tpu.enqueue_indirect_dma source(%arg9 : memref<128xf32, #tpu.memory_space<vmem>>) target(%dma_start3A_57 : memref<1024xf32, #tpu.memory_space<vmem_shared>>) offsets(%arg6 : memref<128xi32, #tpu.memory_space<vmem>>) semaphore(%run_scoped3A : memref<!tpu.dma_semaphore, #tpu.memory_space<semaphore_mem>>) {add = true}
      %dma_wait3A = arith.constant 0 : i32
      %dma_wait3A_58 = tpu.memref_slice %arg11[%dma_wait3A] : memref<1024xf32, #tpu.memory_space<vmem_shared>> -> memref<1024xf32, #tpu.memory_space<vmem_shared>>
      tpu.wait_indirect_dma semaphore(%run_scoped3A : memref<!tpu.dma_semaphore, #tpu.memory_space<semaphore_mem>>) src(%arg9 : memref<128xf32, #tpu.memory_space<vmem>>) dst(%dma_wait3A_58 : memref<1024xf32, #tpu.memory_space<vmem_shared>>)
      tpu.yield
    }) : () -> ()
    "tpu.region"() ({
      %run_scoped3A = tpu.sem_alloc : memref<!tpu.dma_semaphore, #tpu.memory_space<semaphore_mem>>
      %dma_start3A = arith.constant 0 : i32
      %dma_start3A_57 = tpu.memref_slice %arg12[%dma_start3A] : memref<1024xf32, #tpu.memory_space<vmem_shared>> -> memref<1024xf32, #tpu.memory_space<vmem_shared>>
      tpu.enqueue_indirect_dma source(%arg7 : memref<128xf32, #tpu.memory_space<vmem>>) target(%dma_start3A_57 : memref<1024xf32, #tpu.memory_space<vmem_shared>>) offsets(%arg6 : memref<128xi32, #tpu.memory_space<vmem>>) semaphore(%run_scoped3A : memref<!tpu.dma_semaphore, #tpu.memory_space<semaphore_mem>>) {add = true}
      %dma_wait3A = arith.constant 0 : i32
      %dma_wait3A_58 = tpu.memref_slice %arg12[%dma_wait3A] : memref<1024xf32, #tpu.memory_space<vmem_shared>> -> memref<1024xf32, #tpu.memory_space<vmem_shared>>
      tpu.wait_indirect_dma semaphore(%run_scoped3A : memref<!tpu.dma_semaphore, #tpu.memory_space<semaphore_mem>>) src(%arg7 : memref<128xf32, #tpu.memory_space<vmem>>) dst(%dma_wait3A_58 : memref<1024xf32, #tpu.memory_space<vmem_shared>>)
      tpu.yield
    }) : () -> ()
    "tpu.region"() ({
      %run_scoped3A = tpu.sem_alloc : memref<!tpu.dma_semaphore, #tpu.memory_space<semaphore_mem>>
      %dma_start3A = arith.constant 0 : i32
      %dma_start3A_57 = tpu.memref_slice %arg13[%dma_start3A] : memref<1024xf32, #tpu.memory_space<vmem_shared>> -> memref<1024xf32, #tpu.memory_space<vmem_shared>>
      tpu.enqueue_indirect_dma source(%arg8 : memref<128xf32, #tpu.memory_space<vmem>>) target(%dma_start3A_57 : memref<1024xf32, #tpu.memory_space<vmem_shared>>) offsets(%arg6 : memref<128xi32, #tpu.memory_space<vmem>>) semaphore(%run_scoped3A : memref<!tpu.dma_semaphore, #tpu.memory_space<semaphore_mem>>) {add = true}
      %dma_wait3A = arith.constant 0 : i32
      %dma_wait3A_58 = tpu.memref_slice %arg13[%dma_wait3A] : memref<1024xf32, #tpu.memory_space<vmem_shared>> -> memref<1024xf32, #tpu.memory_space<vmem_shared>>
      tpu.wait_indirect_dma semaphore(%run_scoped3A : memref<!tpu.dma_semaphore, #tpu.memory_space<semaphore_mem>>) src(%arg8 : memref<128xf32, #tpu.memory_space<vmem>>) dst(%dma_wait3A_58 : memref<1024xf32, #tpu.memory_space<vmem_shared>>)
      tpu.yield
    }) : () -> ()
    %barrier3A_51 = arith.constant 0 : index
    tpu.barrier barrier_id(%barrier3A_51)
    %eq3A_52 = arith.constant 0 : i32
    %eq3A_53 = arith.cmpi eq, %arg1, %eq3A_52 : i32
    %convert_element_type3A_54 = arith.extui %eq3A_53 : i1 to i32
    %cond3A_55 = arith.constant 0 : i32
    %cond3A_56 = arith.cmpi ne, %convert_element_type3A_54, %cond3A_55 : i32
    scf.if %cond3A_56 {
      %run_scoped3A = arith.constant 0 : i32
      "tpu.region"() ({
        %run_scoped3A_59 = tpu.sem_alloc : memref<!tpu.dma_semaphore, #tpu.memory_space<semaphore_mem>>
        %dma_start3A = arith.constant 0 : i32
        %dma_start3A_60 = tpu.memref_slice %arg5[%arg0, %run_scoped3A, %dma_start3A] : memref<2x4x1024xf32, #tpu.memory_space<hbm>> -> memref<1x1x1024xf32, #tpu.memory_space<hbm>>
        %dma_start3A_61 = tpu.memref_squeeze %dma_start3A_60 : memref<1x1x1024xf32, #tpu.memory_space<hbm>> -> memref<1024xf32, #tpu.memory_space<hbm>>
        tpu.enqueue_dma source(%arg11 : memref<1024xf32, #tpu.memory_space<vmem_shared>>) target(%dma_start3A_61 : memref<1024xf32, #tpu.memory_space<hbm>>) target_semaphore(%run_scoped3A_59 : memref<!tpu.dma_semaphore, #tpu.memory_space<semaphore_mem>>)
        %dma_wait3A = arith.constant 0 : i32
        %dma_wait3A_62 = tpu.memref_slice %arg5[%arg0, %run_scoped3A, %dma_wait3A] : memref<2x4x1024xf32, #tpu.memory_space<hbm>> -> memref<1x1x1024xf32, #tpu.memory_space<hbm>>
        %dma_wait3A_63 = tpu.memref_squeeze %dma_wait3A_62 : memref<1x1x1024xf32, #tpu.memory_space<hbm>> -> memref<1024xf32, #tpu.memory_space<hbm>>
        tpu.wait_dma2 semaphore(%run_scoped3A_59 : memref<!tpu.dma_semaphore, #tpu.memory_space<semaphore_mem>>) src(%arg11 : memref<1024xf32, #tpu.memory_space<vmem_shared>>) dst(%dma_wait3A_63 : memref<1024xf32, #tpu.memory_space<hbm>>)
        tpu.yield
      }) : () -> ()
      %run_scoped3A_57 = arith.constant 1 : i32
      "tpu.region"() ({
        %run_scoped3A_59 = tpu.sem_alloc : memref<!tpu.dma_semaphore, #tpu.memory_space<semaphore_mem>>
        %dma_start3A = arith.constant 0 : i32
        %dma_start3A_60 = tpu.memref_slice %arg5[%arg0, %run_scoped3A_57, %dma_start3A] : memref<2x4x1024xf32, #tpu.memory_space<hbm>> -> memref<1x1x1024xf32, #tpu.memory_space<hbm>>
        %dma_start3A_61 = tpu.memref_squeeze %dma_start3A_60 : memref<1x1x1024xf32, #tpu.memory_space<hbm>> -> memref<1024xf32, #tpu.memory_space<hbm>>
        tpu.enqueue_dma source(%arg12 : memref<1024xf32, #tpu.memory_space<vmem_shared>>) target(%dma_start3A_61 : memref<1024xf32, #tpu.memory_space<hbm>>) target_semaphore(%run_scoped3A_59 : memref<!tpu.dma_semaphore, #tpu.memory_space<semaphore_mem>>)
        %dma_wait3A = arith.constant 0 : i32
        %dma_wait3A_62 = tpu.memref_slice %arg5[%arg0, %run_scoped3A_57, %dma_wait3A] : memref<2x4x1024xf32, #tpu.memory_space<hbm>> -> memref<1x1x1024xf32, #tpu.memory_space<hbm>>
        %dma_wait3A_63 = tpu.memref_squeeze %dma_wait3A_62 : memref<1x1x1024xf32, #tpu.memory_space<hbm>> -> memref<1024xf32, #tpu.memory_space<hbm>>
        tpu.wait_dma2 semaphore(%run_scoped3A_59 : memref<!tpu.dma_semaphore, #tpu.memory_space<semaphore_mem>>) src(%arg12 : memref<1024xf32, #tpu.memory_space<vmem_shared>>) dst(%dma_wait3A_63 : memref<1024xf32, #tpu.memory_space<hbm>>)
        tpu.yield
      }) : () -> ()
      %run_scoped3A_58 = arith.constant 2 : i32
      "tpu.region"() ({
        %run_scoped3A_59 = tpu.sem_alloc : memref<!tpu.dma_semaphore, #tpu.memory_space<semaphore_mem>>
        %dma_start3A = arith.constant 0 : i32
        %dma_start3A_60 = tpu.memref_slice %arg5[%arg0, %run_scoped3A_58, %dma_start3A] : memref<2x4x1024xf32, #tpu.memory_space<hbm>> -> memref<1x1x1024xf32, #tpu.memory_space<hbm>>
        %dma_start3A_61 = tpu.memref_squeeze %dma_start3A_60 : memref<1x1x1024xf32, #tpu.memory_space<hbm>> -> memref<1024xf32, #tpu.memory_space<hbm>>
        tpu.enqueue_dma source(%arg13 : memref<1024xf32, #tpu.memory_space<vmem_shared>>) target(%dma_start3A_61 : memref<1024xf32, #tpu.memory_space<hbm>>) target_semaphore(%run_scoped3A_59 : memref<!tpu.dma_semaphore, #tpu.memory_space<semaphore_mem>>)
        %dma_wait3A = arith.constant 0 : i32
        %dma_wait3A_62 = tpu.memref_slice %arg5[%arg0, %run_scoped3A_58, %dma_wait3A] : memref<2x4x1024xf32, #tpu.memory_space<hbm>> -> memref<1x1x1024xf32, #tpu.memory_space<hbm>>
        %dma_wait3A_63 = tpu.memref_squeeze %dma_wait3A_62 : memref<1x1x1024xf32, #tpu.memory_space<hbm>> -> memref<1024xf32, #tpu.memory_space<hbm>>
        tpu.wait_dma2 semaphore(%run_scoped3A_59 : memref<!tpu.dma_semaphore, #tpu.memory_space<semaphore_mem>>) src(%arg13 : memref<1024xf32, #tpu.memory_space<vmem_shared>>) dst(%dma_wait3A_63 : memref<1024xf32, #tpu.memory_space<hbm>>)
        tpu.yield
      }) : () -> ()
    } else {
    }
    return
  }
}

module attributes {stable_mosaic.version = 14 : i64} {
  func.func @_pass_a_body(%arg0: i32, %arg1: memref<2048x256xf32, #tpu.memory_space<vmem>>, %arg2: memref<1024x256xf32, #tpu.memory_space<vmem>>, %arg3: memref<2048x1024xbf16, #tpu.memory_space<vmem>>, %arg4: memref<1x1x2048xi32, #tpu.memory_space<vmem>>, %arg5: memref<1x1x2048xf32, #tpu.memory_space<vmem>>, %arg6: memref<1x1x2048xf32, #tpu.memory_space<vmem>>) attributes {dimension_semantics = [#tpu.dimension_semantics<arbitrary>], iteration_bounds = array<i64: 2>, scalar_prefetch = 0 : i64, scratch_operands = 0 : i64, tpu.core_type = #tpu.core_type<tc>, window_params = [{transform_indices = @transform_0, window_bounds = array<i64: 2048, 256>}, {pipeline_mode = #tpu.pipeline_mode<synchronous>, transform_indices = @transform_1, window_bounds = array<i64: 1024, 256>}, {transform_indices = @transform_2, window_bounds = array<i64: 2048, 1024>}, {transform_indices = @transform_3, window_bounds = array<i64: 1, 1, 2048>}, {transform_indices = @transform_4, window_bounds = array<i64: 1, 1, 2048>}, {transform_indices = @transform_5, window_bounds = array<i64: 1, 1, 2048>}]} {
    %get3A = arith.constant 0 : index
    %get3A_0 = arith.constant 0 : index
    %get3A_1 = vector.load %arg1[%get3A, %get3A_0] : memref<2048x256xf32, #tpu.memory_space<vmem>>, vector<2048x256xf32>
    %get3A_2 = arith.constant 0 : index
    %get3A_3 = arith.constant 0 : index
    %get3A_4 = vector.load %arg2[%get3A_2, %get3A_3] : memref<1024x256xf32, #tpu.memory_space<vmem>>, vector<1024x256xf32>
    %dot_general3A = arith.constant dense<0.000000e+00> : vector<2048x1024xf32>
    %dot_general3A_5 = tpu.matmul %get3A_1, %get3A_4, %dot_general3A {dimension_numbers = #tpu.dot_dimension_numbers<[1], [1], [0], [0], [0, 0, 1, 0], [], []>, transpose_lhs_hint = false} : vector<2048x256xf32>, vector<1024x256xf32>, vector<2048x1024xf32> -> vector<2048x1024xf32>
    %mul3A = arith.mulf %get3A_1, %get3A_1 : vector<2048x256xf32>
    %reduce_sum3A = arith.constant dense<0.000000e+00> : vector<2048xf32>
    %reduce_sum3A_6 = vector.multi_reduction <add>, %mul3A, %reduce_sum3A [1] : vector<2048x256xf32> to vector<2048xf32>
    %broadcast_in_dim3A = vector.shape_cast %reduce_sum3A_6 : vector<2048xf32> to vector<2048x1xf32>
    %mul3A_7 = arith.mulf %get3A_4, %get3A_4 : vector<1024x256xf32>
    %reduce_sum3A_8 = arith.constant dense<0.000000e+00> : vector<1024xf32>
    %reduce_sum3A_9 = vector.multi_reduction <add>, %mul3A_7, %reduce_sum3A_8 [1] : vector<1024x256xf32> to vector<1024xf32>
    %sqrt3A = math.sqrt %broadcast_in_dim3A : vector<2048x1xf32>
    %max3A = arith.constant 9.99999974E-5 : f32
    %max3A_10 = vector.broadcast %max3A : f32 to vector<2048x1xf32>
    %max3A_11 = arith.maximumf %sqrt3A, %max3A_10 : vector<2048x1xf32>
    %div3A = arith.constant 1.000000e+00 : f32
    %div3A_12 = vector.broadcast %div3A : f32 to vector<2048x1xf32>
    %div3A_13 = arith.divf %div3A_12, %max3A_11 : vector<2048x1xf32>
    %sqrt3A_14 = math.sqrt %reduce_sum3A_9 : vector<1024xf32>
    %max3A_15 = arith.constant 9.99999974E-5 : f32
    %max3A_16 = vector.broadcast %max3A_15 : f32 to vector<1024xf32>
    %max3A_17 = arith.maximumf %sqrt3A_14, %max3A_16 : vector<1024xf32>
    %div3A_18 = arith.constant 1.000000e+00 : f32
    %div3A_19 = vector.broadcast %div3A_18 : f32 to vector<1024xf32>
    %div3A_20 = arith.divf %div3A_19, %max3A_17 : vector<1024xf32>
    %broadcast_in_dim3A_21 = vector.shape_cast %div3A_20 : vector<1024xf32> to vector<1x1024xf32>
    %mul3A_22 = vector.broadcast %broadcast_in_dim3A_21 : vector<1x1024xf32> to vector<2048x1024xf32>
    %mul3A_23 = arith.mulf %dot_general3A_5, %mul3A_22 : vector<2048x1024xf32>
    %reduce_max3A = arith.constant dense<0xFF800000> : vector<2048xf32>
    %reduce_max3A_24 = vector.multi_reduction <maximumf>, %mul3A_23, %reduce_max3A [1] : vector<2048x1024xf32> to vector<2048xf32>
    %broadcast_in_dim3A_25 = vector.shape_cast %reduce_max3A_24 : vector<2048xf32> to vector<2048x1xf32>
    %eq3A = vector.broadcast %broadcast_in_dim3A_25 : vector<2048x1xf32> to vector<2048x1024xf32>
    %eq3A_26 = arith.cmpf oeq, %mul3A_23, %eq3A : vector<2048x1024xf32>
    %convert_element_type3A = arith.extui %eq3A_26 : vector<2048x1024xi1> to vector<2048x1024xi32>
    %convert_element_type3A_27 = arith.sitofp %convert_element_type3A : vector<2048x1024xi32> to vector<2048x1024xf32>
    %convert_element_type3A_28 = arith.truncf %convert_element_type3A_27 : vector<2048x1024xf32> to vector<2048x1024xbf16>
    %iota3A = tpu.iota {dimensions = array<i32: 1>} : vector<1x1024xi32>
    %shift_right_arithmetic3A = arith.constant 5 : i32
    %shift_right_arithmetic3A_29 = vector.broadcast %shift_right_arithmetic3A : i32 to vector<1x1024xi32>
    %shift_right_arithmetic3A_30 = arith.shrsi %iota3A, %shift_right_arithmetic3A_29 : vector<1x1024xi32>
    %convert_element_type3A_31 = arith.sitofp %shift_right_arithmetic3A_30 : vector<1x1024xi32> to vector<1x1024xf32>
    %and3A = arith.constant 31 : i32
    %and3A_32 = vector.broadcast %and3A : i32 to vector<1x1024xi32>
    %and3A_33 = arith.andi %iota3A, %and3A_32 : vector<1x1024xi32>
    %convert_element_type3A_34 = arith.sitofp %and3A_33 : vector<1x1024xi32> to vector<1x1024xf32>
    %broadcast_in_dim3A_35 = vector.shape_cast %reduce_sum3A_9 : vector<1024xf32> to vector<1x1024xf32>
    %concatenate3A = tpu.concatenate %convert_element_type3A_31, %convert_element_type3A_34, %broadcast_in_dim3A_35 in 0 : vector<1x1024xf32>, vector<1x1024xf32>, vector<1x1024xf32> -> vector<3x1024xf32>
    %convert_element_type3A_36 = arith.truncf %concatenate3A : vector<3x1024xf32> to vector<3x1024xbf16>
    %dot_general3A_37 = arith.constant dense<0.000000e+00> : vector<2048x3xf32>
    %dot_general3A_38 = tpu.matmul %convert_element_type3A_28, %convert_element_type3A_36, %dot_general3A_37 {dimension_numbers = #tpu.dot_dimension_numbers<[1], [1], [0], [0], [0, 0, 1, 0], [], []>, transpose_lhs_hint = false} : vector<2048x1024xbf16>, vector<3x1024xbf16>, vector<2048x3xf32> -> vector<2048x3xf32>
    %slice3A = vector.extract_strided_slice %dot_general3A_38 {offsets = [0, 0], sizes = [2048, 1], strides = [1, 1]} : vector<2048x3xf32> to vector<2048x1xf32>
    %squeeze3A = vector.shape_cast %slice3A : vector<2048x1xf32> to vector<2048xf32>
    %mul3A_39 = arith.constant 3.200000e+01 : f32
    %mul3A_40 = vector.broadcast %mul3A_39 : f32 to vector<2048xf32>
    %mul3A_41 = arith.mulf %squeeze3A, %mul3A_40 : vector<2048xf32>
    %slice3A_42 = vector.extract_strided_slice %dot_general3A_38 {offsets = [0, 1], sizes = [2048, 1], strides = [1, 1]} : vector<2048x3xf32> to vector<2048x1xf32>
    %squeeze3A_43 = vector.shape_cast %slice3A_42 : vector<2048x1xf32> to vector<2048xf32>
    %add3A = arith.addf %mul3A_41, %squeeze3A_43 : vector<2048xf32>
    %min3A = arith.constant 1.023000e+03 : f32
    %min3A_44 = vector.broadcast %min3A : f32 to vector<2048xf32>
    %min3A_45 = arith.minimumf %add3A, %min3A_44 : vector<2048xf32>
    %convert_element_type3A_46 = arith.fptosi %min3A_45 : vector<2048xf32> to vector<2048xi32>
    %slice3A_47 = vector.extract_strided_slice %dot_general3A_38 {offsets = [0, 2], sizes = [2048, 1], strides = [1, 1]} : vector<2048x3xf32> to vector<2048x1xf32>
    %squeeze3A_48 = vector.shape_cast %slice3A_47 : vector<2048x1xf32> to vector<2048xf32>
    %mul3A_49 = vector.broadcast %div3A_13 : vector<2048x1xf32> to vector<2048x1024xf32>
    %mul3A_50 = arith.mulf %mul3A_23, %mul3A_49 : vector<2048x1024xf32>
    %convert_element_type3A_51 = arith.truncf %mul3A_50 : vector<2048x1024xf32> to vector<2048x1024xbf16>
    %swap3A = arith.constant 0 : index
    %swap3A_52 = arith.constant 0 : index
    %swap3A_53 = vector.load %arg3[%swap3A, %swap3A_52] : memref<2048x1024xbf16, #tpu.memory_space<vmem>>, vector<2048x1024xbf16>
    tpu.vector_store %arg3[%swap3A, %swap3A_52], %convert_element_type3A_51 {strides = array<i32>} : memref<2048x1024xbf16, #tpu.memory_space<vmem>>, vector<2048x1024xbf16>,
    %squeeze3A_54 = vector.shape_cast %broadcast_in_dim3A_25 : vector<2048x1xf32> to vector<2048xf32>
    %sqrt3A_55 = math.sqrt %squeeze3A_48 : vector<2048xf32>
    %max3A_56 = arith.constant 9.99999974E-5 : f32
    %max3A_57 = vector.broadcast %max3A_56 : f32 to vector<2048xf32>
    %max3A_58 = arith.maximumf %sqrt3A_55, %max3A_57 : vector<2048xf32>
    %mul3A_59 = arith.mulf %squeeze3A_54, %max3A_58 : vector<2048xf32>
    %squeeze3A_60 = vector.shape_cast %broadcast_in_dim3A : vector<2048x1xf32> to vector<2048xf32>
    %add3A_61 = arith.addf %squeeze3A_60, %squeeze3A_48 : vector<2048xf32>
    %mul3A_62 = arith.constant 2.000000e+00 : f32
    %mul3A_63 = vector.broadcast %mul3A_62 : f32 to vector<2048xf32>
    %mul3A_64 = arith.mulf %mul3A_63, %mul3A_59 : vector<2048xf32>
    %sub3A = arith.subf %add3A_61, %mul3A_64 : vector<2048xf32>
    %max3A_65 = arith.constant 9.99999996E-13 : f32
    %max3A_66 = vector.broadcast %max3A_65 : f32 to vector<2048xf32>
    %max3A_67 = arith.maximumf %sub3A, %max3A_66 : vector<2048xf32>
    %sqrt3A_68 = math.sqrt %max3A_67 : vector<2048xf32>
    %swap3A_69 = arith.constant 0 : index
    %swap3A_70 = arith.constant 0 : index
    %swap3A_71 = arith.constant 0 : index
    %swap3A_72 = vector.load %arg4[%swap3A_69, %swap3A_70, %swap3A_71] : memref<1x1x2048xi32, #tpu.memory_space<vmem>>, vector<1x1x2048xi32>
    %swap3A_73 = vector.shape_cast %swap3A_72 : vector<1x1x2048xi32> to vector<2048xi32>
    %swap3A_74 = vector.shape_cast %convert_element_type3A_46 : vector<2048xi32> to vector<1x1x2048xi32>
    tpu.vector_store %arg4[%swap3A_69, %swap3A_70, %swap3A_71], %swap3A_74 {strides = array<i32>} : memref<1x1x2048xi32, #tpu.memory_space<vmem>>, vector<1x1x2048xi32>,
    %squeeze3A_75 = vector.shape_cast %broadcast_in_dim3A_25 : vector<2048x1xf32> to vector<2048xf32>
    %squeeze3A_76 = vector.shape_cast %div3A_13 : vector<2048x1xf32> to vector<2048xf32>
    %mul3A_77 = arith.mulf %squeeze3A_75, %squeeze3A_76 : vector<2048xf32>
    %swap3A_78 = arith.constant 0 : index
    %swap3A_79 = arith.constant 0 : index
    %swap3A_80 = arith.constant 0 : index
    %swap3A_81 = vector.load %arg5[%swap3A_78, %swap3A_79, %swap3A_80] : memref<1x1x2048xf32, #tpu.memory_space<vmem>>, vector<1x1x2048xf32>
    %swap3A_82 = vector.shape_cast %swap3A_81 : vector<1x1x2048xf32> to vector<2048xf32>
    %swap3A_83 = vector.shape_cast %mul3A_77 : vector<2048xf32> to vector<1x1x2048xf32>
    tpu.vector_store %arg5[%swap3A_78, %swap3A_79, %swap3A_80], %swap3A_83 {strides = array<i32>} : memref<1x1x2048xf32, #tpu.memory_space<vmem>>, vector<1x1x2048xf32>,
    %swap3A_84 = arith.constant 0 : index
    %swap3A_85 = arith.constant 0 : index
    %swap3A_86 = arith.constant 0 : index
    %swap3A_87 = vector.load %arg6[%swap3A_84, %swap3A_85, %swap3A_86] : memref<1x1x2048xf32, #tpu.memory_space<vmem>>, vector<1x1x2048xf32>
    %swap3A_88 = vector.shape_cast %swap3A_87 : vector<1x1x2048xf32> to vector<2048xf32>
    %swap3A_89 = vector.shape_cast %sqrt3A_68 : vector<2048xf32> to vector<1x1x2048xf32>
    tpu.vector_store %arg6[%swap3A_84, %swap3A_85, %swap3A_86], %swap3A_89 {strides = array<i32>} : memref<1x1x2048xf32, #tpu.memory_space<vmem>>, vector<1x1x2048xf32>,
    return
  }
  func.func @transform_0(%arg0: i32) -> (i32, i32) {
    %c0_i32 = arith.constant 0 : i32
    %c0_i32_0 = arith.constant 0 : i32
    return %arg0, %c0_i32 : i32, i32
  }
  func.func @transform_1(%arg0: i32) -> (i32, i32) {
    %c0_i32 = arith.constant 0 : i32
    %c0_i32_0 = arith.constant 0 : i32
    %c0_i32_1 = arith.constant 0 : i32
    return %c0_i32, %c0_i32_0 : i32, i32
  }
  func.func @transform_2(%arg0: i32) -> (i32, i32) {
    %c0_i32 = arith.constant 0 : i32
    %c0_i32_0 = arith.constant 0 : i32
    return %arg0, %c0_i32 : i32, i32
  }
  func.func @transform_3(%arg0: i32) -> (i32, i32, i32) {
    %c0_i32 = arith.constant 0 : i32
    %c0_i32_0 = arith.constant 0 : i32
    %c0_i32_1 = arith.constant 0 : i32
    return %arg0, %c0_i32, %c0_i32_0 : i32, i32, i32
  }
  func.func @transform_4(%arg0: i32) -> (i32, i32, i32) {
    %c0_i32 = arith.constant 0 : i32
    %c0_i32_0 = arith.constant 0 : i32
    %c0_i32_1 = arith.constant 0 : i32
    return %arg0, %c0_i32, %c0_i32_0 : i32, i32, i32
  }
  func.func @transform_5(%arg0: i32) -> (i32, i32, i32) {
    %c0_i32 = arith.constant 0 : i32
    %c0_i32_0 = arith.constant 0 : i32
    %c0_i32_1 = arith.constant 0 : i32
    return %arg0, %c0_i32, %c0_i32_0 : i32, i32, i32
  }
}

module attributes {stable_mosaic.version = 14 : i64} {
  func.func @_pass_c_body(%arg0: i32, %arg1: memref<1024x1024xbf16, #tpu.memory_space<vmem>>, %arg2: memref<2x4x1024xf32, #tpu.memory_space<vmem>>, %arg3: memref<1x1xf32, #tpu.memory_space<smem>>) attributes {dimension_semantics = [#tpu.dimension_semantics<arbitrary>], iteration_bounds = array<i64: 4>, scalar_prefetch = 0 : i64, scratch_operands = 0 : i64, tpu.core_type = #tpu.core_type<tc>, window_params = [{transform_indices = @transform_0, window_bounds = array<i64: 1024, 1024>}, {pipeline_mode = #tpu.pipeline_mode<synchronous>, transform_indices = @transform_1, window_bounds = array<i64: 2, 4, 1024>}, {transform_indices = @transform_2, window_bounds = array<i64: 1, 1>}]} {
    %get3A = arith.constant 0 : index
    %get3A_0 = arith.constant 0 : index
    %get3A_1 = arith.constant 0 : index
    %get3A_2 = vector.load %arg2[%get3A, %get3A_0, %get3A_1] : memref<2x4x1024xf32, #tpu.memory_space<vmem>>, vector<1x1x1024xf32>
    %get3A_3 = vector.shape_cast %get3A_2 : vector<1x1x1024xf32> to vector<1024xf32>
    %get3A_4 = arith.constant 1 : index
    %get3A_5 = arith.constant 0 : index
    %get3A_6 = arith.constant 0 : index
    %get3A_7 = vector.load %arg2[%get3A_4, %get3A_5, %get3A_6] : memref<2x4x1024xf32, #tpu.memory_space<vmem>>, vector<1x1x1024xf32>
    %get3A_8 = vector.shape_cast %get3A_7 : vector<1x1x1024xf32> to vector<1024xf32>
    %add3A = arith.addf %get3A_3, %get3A_8 : vector<1024xf32>
    %get3A_9 = arith.constant 0 : index
    %get3A_10 = arith.constant 1 : index
    %get3A_11 = arith.constant 0 : index
    %get3A_12 = vector.load %arg2[%get3A_9, %get3A_10, %get3A_11] : memref<2x4x1024xf32, #tpu.memory_space<vmem>>, vector<1x1x1024xf32>
    %get3A_13 = vector.shape_cast %get3A_12 : vector<1x1x1024xf32> to vector<1024xf32>
    %get3A_14 = arith.constant 1 : index
    %get3A_15 = arith.constant 1 : index
    %get3A_16 = arith.constant 0 : index
    %get3A_17 = vector.load %arg2[%get3A_14, %get3A_15, %get3A_16] : memref<2x4x1024xf32, #tpu.memory_space<vmem>>, vector<1x1x1024xf32>
    %get3A_18 = vector.shape_cast %get3A_17 : vector<1x1x1024xf32> to vector<1024xf32>
    %add3A_19 = arith.addf %get3A_13, %get3A_18 : vector<1024xf32>
    %get3A_20 = arith.constant 0 : index
    %get3A_21 = arith.constant 2 : index
    %get3A_22 = arith.constant 0 : index
    %get3A_23 = vector.load %arg2[%get3A_20, %get3A_21, %get3A_22] : memref<2x4x1024xf32, #tpu.memory_space<vmem>>, vector<1x1x1024xf32>
    %get3A_24 = vector.shape_cast %get3A_23 : vector<1x1x1024xf32> to vector<1024xf32>
    %get3A_25 = arith.constant 1 : index
    %get3A_26 = arith.constant 2 : index
    %get3A_27 = arith.constant 0 : index
    %get3A_28 = vector.load %arg2[%get3A_25, %get3A_26, %get3A_27] : memref<2x4x1024xf32, #tpu.memory_space<vmem>>, vector<1x1x1024xf32>
    %get3A_29 = vector.shape_cast %get3A_28 : vector<1x1x1024xf32> to vector<1024xf32>
    %add3A_30 = arith.addf %get3A_24, %get3A_29 : vector<1024xf32>
    %eq3A = arith.constant 0.000000e+00 : f32
    %eq3A_31 = vector.broadcast %eq3A : f32 to vector<1024xf32>
    %eq3A_32 = arith.cmpf oeq, %add3A, %eq3A_31 : vector<1024xf32>
    %jit3A = arith.constant 1.000000e+00 : f32
    %broadcast_in_dim3A = vector.broadcast %jit3A : f32 to vector<1024xf32>
    %select_n3A = arith.select %eq3A_32, %broadcast_in_dim3A, %add3A : vector<1024xi1>, vector<1024xf32>
    %div3A = arith.divf %add3A_19, %select_n3A : vector<1024xf32>
    %add3A_33 = arith.constant 1.000000e+01 : f32
    %add3A_34 = vector.broadcast %add3A_33 : f32 to vector<1024xf32>
    %add3A_35 = arith.addf %select_n3A, %add3A_34 : vector<1024xf32>
    %log3A = math.log %add3A_35 : vector<1024xf32>
    %div3A_36 = arith.divf %div3A, %log3A : vector<1024xf32>
    %eq3A_37 = arith.constant 0.000000e+00 : f32
    %eq3A_38 = vector.broadcast %eq3A_37 : f32 to vector<1024xf32>
    %eq3A_39 = arith.cmpf oeq, %add3A, %eq3A_38 : vector<1024xf32>
    %jit3A_40 = arith.constant -1.000000e+04 : f32
    %jit3A_41 = arith.constant 0.000000e+00 : f32
    %broadcast_in_dim3A_42 = vector.broadcast %jit3A_40 : f32 to vector<1024xf32>
    %broadcast_in_dim3A_43 = vector.broadcast %jit3A_41 : f32 to vector<1024xf32>
    %select_n3A_44 = arith.select %eq3A_39, %broadcast_in_dim3A_42, %broadcast_in_dim3A_43 : vector<1024xi1>, vector<1024xf32>
    %add3A_45 = arith.addf %div3A_36, %select_n3A_44 : vector<1024xf32>
    %div3A_46 = arith.constant 1.44269502 : f32
    %div3A_47 = vector.broadcast %div3A_46 : f32 to vector<1024xf32>
    %div3A_48 = arith.divf %div3A_47, %add3A_45 : vector<1024xf32>
    %mul3A = arith.constant 1.44269502 : f32
    %mul3A_49 = vector.broadcast %mul3A : f32 to vector<1024xf32>
    %mul3A_50 = arith.mulf %select_n3A_44, %mul3A_49 : vector<1024xf32>
    %broadcast_in_dim3A_51 = vector.shape_cast %mul3A_50 : vector<1024xf32> to vector<1x1024xf32>
    %get3A_52 = arith.constant 0 : index
    %get3A_53 = arith.constant 0 : index
    %get3A_54 = vector.load %arg1[%get3A_52, %get3A_53] : memref<1024x1024xbf16, #tpu.memory_space<vmem>>, vector<1024x1024xbf16>
    %convert_element_type3A = arith.extf %get3A_54 : vector<1024x1024xbf16> to vector<1024x1024xf32>
    %broadcast_in_dim3A_55 = vector.shape_cast %div3A_48 : vector<1024xf32> to vector<1x1024xf32>
    %mul3A_56 = vector.broadcast %broadcast_in_dim3A_55 : vector<1x1024xf32> to vector<1024x1024xf32>
    %mul3A_57 = arith.mulf %convert_element_type3A, %mul3A_56 : vector<1024x1024xf32>
    %add3A_58 = vector.broadcast %broadcast_in_dim3A_51 : vector<1x1024xf32> to vector<1024x1024xf32>
    %add3A_59 = arith.addf %add3A_58, %mul3A_57 : vector<1024x1024xf32>
    %reduce_max3A = arith.constant dense<0xFF800000> : vector<1024xf32>
    %reduce_max3A_60 = vector.multi_reduction <maximumf>, %add3A_59, %reduce_max3A [1] : vector<1024x1024xf32> to vector<1024xf32>
    %broadcast_in_dim3A_61 = vector.shape_cast %reduce_max3A_60 : vector<1024xf32> to vector<1024x1xf32>
    %sub3A = vector.broadcast %broadcast_in_dim3A_61 : vector<1024x1xf32> to vector<1024x1024xf32>
    %sub3A_62 = arith.subf %add3A_59, %sub3A : vector<1024x1024xf32>
    %exp23A = math.exp2 %sub3A_62 : vector<1024x1024xf32>
    %squeeze3A = vector.shape_cast %broadcast_in_dim3A_61 : vector<1024x1xf32> to vector<1024xf32>
    %reduce_sum3A = arith.constant dense<0.000000e+00> : vector<1024xf32>
    %reduce_sum3A_63 = vector.multi_reduction <add>, %exp23A, %reduce_sum3A [1] : vector<1024x1024xf32> to vector<1024xf32>
    %log3A_64 = math.log %reduce_sum3A_63 : vector<1024xf32>
    %log3A_65 = arith.constant 2.000000e+00 : f32
    %log3A_66 = math.log %log3A_65 : f32
    %div3A_67 = vector.broadcast %log3A_66 : f32 to vector<1024xf32>
    %div3A_68 = arith.divf %log3A_64, %div3A_67 : vector<1024xf32>
    %add3A_69 = arith.addf %squeeze3A, %div3A_68 : vector<1024xf32>
    %mul3A_70 = arith.constant 0.693147182 : f32
    %mul3A_71 = vector.broadcast %mul3A_70 : f32 to vector<1024xf32>
    %mul3A_72 = arith.mulf %add3A_69, %mul3A_71 : vector<1024xf32>
    %reduce_sum3A_73 = vector.shape_cast %mul3A_72 : vector<1024xf32> to vector<1x1024xf32>
    %reduce_sum3A_74 = arith.constant dense<0.000000e+00> : vector<1xf32>
    %reduce_sum3A_75 = vector.multi_reduction <add>, %reduce_sum3A_73, %reduce_sum3A_74 [1] : vector<1x1024xf32> to vector<1xf32>
    %reduce_sum3A_76 = vector.shape_cast %reduce_sum3A_75 : vector<1xf32> to vector<1x1xf32>
    %reduce_sum3A_77 = vector.extract %reduce_sum3A_76[0, 0] : f32 from vector<1x1xf32>
    %eq3A_78 = arith.constant 0 : i32
    %eq3A_79 = arith.cmpi eq, %arg0, %eq3A_78 : i32
    %convert_element_type3A_80 = arith.extui %eq3A_79 : i1 to i32
    %cond3A = arith.constant 0 : i32
    %cond3A_81 = arith.cmpi ne, %convert_element_type3A_80, %cond3A : i32
    scf.if %cond3A_81 {
      %eq3A_90 = arith.constant 0.000000e+00 : f32
      %eq3A_91 = vector.broadcast %eq3A_90 : f32 to vector<1024xf32>
      %eq3A_92 = arith.cmpf oeq, %add3A, %eq3A_91 : vector<1024xf32>
      %div3A_93 = arith.divf %add3A_30, %div3A_36 : vector<1024xf32>
      %jit3A_94 = arith.constant 0.000000e+00 : f32
      %broadcast_in_dim3A_95 = vector.broadcast %jit3A_94 : f32 to vector<1024xf32>
      %select_n3A_96 = arith.select %eq3A_92, %broadcast_in_dim3A_95, %div3A_93 : vector<1024xi1>, vector<1024xf32>
      %reduce_sum3A_97 = vector.shape_cast %select_n3A_96 : vector<1024xf32> to vector<1x1024xf32>
      %reduce_sum3A_98 = arith.constant dense<0.000000e+00> : vector<1xf32>
      %reduce_sum3A_99 = vector.multi_reduction <add>, %reduce_sum3A_97, %reduce_sum3A_98 [1] : vector<1x1024xf32> to vector<1xf32>
      %reduce_sum3A_100 = vector.shape_cast %reduce_sum3A_99 : vector<1xf32> to vector<1x1xf32>
      %reduce_sum3A_101 = vector.extract %reduce_sum3A_100[0, 0] : f32 from vector<1x1xf32>
      %neg3A = arith.constant 0.000000e+00 : f32
      %neg3A_102 = arith.subf %neg3A, %reduce_sum3A_101 : f32
      %div3A_103 = arith.constant 4.096000e+03 : f32
      %div3A_104 = arith.divf %neg3A_102, %div3A_103 : f32
      %swap3A_105 = arith.constant 0 : index
      %swap3A_106 = arith.constant 0 : index
      %swap3A_107 = memref.load %arg3[%swap3A_105, %swap3A_106] : memref<1x1xf32, #tpu.memory_space<smem>>
      memref.store %div3A_104, %arg3[%swap3A_105, %swap3A_106] : memref<1x1xf32, #tpu.memory_space<smem>>
    } else {
    }
    %get3A_82 = arith.constant 0 : index
    %get3A_83 = arith.constant 0 : index
    %get3A_84 = memref.load %arg3[%get3A_82, %get3A_83] : memref<1x1xf32, #tpu.memory_space<smem>>
    %div3A_85 = arith.constant 4.096000e+03 : f32
    %div3A_86 = arith.divf %reduce_sum3A_77, %div3A_85 : f32
    %add3A_87 = arith.addf %get3A_84, %div3A_86 : f32
    %swap3A = arith.constant 0 : index
    %swap3A_88 = arith.constant 0 : index
    %swap3A_89 = memref.load %arg3[%swap3A, %swap3A_88] : memref<1x1xf32, #tpu.memory_space<smem>>
    memref.store %add3A_87, %arg3[%swap3A, %swap3A_88] : memref<1x1xf32, #tpu.memory_space<smem>>
    return
  }
  func.func @transform_0(%arg0: i32) -> (i32, i32) {
    %c0_i32 = arith.constant 0 : i32
    %c0_i32_0 = arith.constant 0 : i32
    return %arg0, %c0_i32 : i32, i32
  }
  func.func @transform_1(%arg0: i32) -> (i32, i32, i32) {
    %c0_i32 = arith.constant 0 : i32
    %c0_i32_0 = arith.constant 0 : i32
    %c0_i32_1 = arith.constant 0 : i32
    %c0_i32_2 = arith.constant 0 : i32
    return %c0_i32, %c0_i32_0, %c0_i32_1 : i32, i32, i32
  }
  func.func @transform_2(%arg0: i32) -> (i32, i32) {
    %c0_i32 = arith.constant 0 : i32
    %c0_i32_0 = arith.constant 0 : i32
    %c0_i32_1 = arith.constant 0 : i32
    return %c0_i32, %c0_i32_0 : i32, i32
  }
}

</mosaic_0001>

<sc_bundles>
// kernel: kernel.5.cloned.1.call-start
scs
__scs_entry_jumppad:
0x0: {  	(pc) =	sbr.rel $0x88, $3  }
0x1: {  	(tag) =	ssettag $0x0;
	lr =	simm.s32 $0x1  }
0x2: {  	[smem:$0x3F9F] =	sst lr;
	_ =	strace $0xD0000000  }
0x3: {  	_ = 	snop  }
0x4: {  	_ = 	snop  }
0x5: {  	_ = 	snop  }
0x6: {  	_ = 	snop  }
0x7: {  	_ = 	snop  }
__scs_overlays_trampoline_lowered:
0x8: {  	[smem:$0x3FAE] =	sst s0  }
0x9: {  	[smem:$0x3FAF] =	sst s1  }
0xa: {  	[smem:$0x3FB0] =	sst s2  }
0xb: {  	[smem:$0x3FB1] =	sst s3  }
0xc: {  	[smem:$0x3FB2] =	sst s4  }
0xd: {  	[smem:$0x3FB3] =	sst s5  }
0xe: {  	[smem:$0x3FB4] =	sst s6  }
0xf: {  	[smem:$0x3FB5] =	sst s7  }
0x10: {  	[smem:$0x3FB6] =	sst s8  }
0x11: {  	[smem:$0x3FB7] =	sst s9;
	s0 =	simm.s32 @!p0 $0x0  }
0x12: {  	s1 =	sld [smem:$0x3F9D];
	s0 =	simm.s32 @p0 $0x1  }
0x13: {  	[smem:$0x3FB8] =	sst s0;
	s0 =	simm.s32 @!p1 $0x0  }
0x14: {  	s2 =	sld [smem:$0x3F9C];
	s0 =	simm.s32 @p1 $0x1  }
0x15: {  	[smem:$0x3FB9] =	sst s0;
	s0 =	simm.s32 @!p2 $0x0  }
0x16: {  	s3 =	sld [smem:$0x3FDB];
	s0 =	simm.s32 @p2 $0x1  }
0x17: {  	s4 =	simm.s32 $0x1BF5;
	[smem:$0x3FBB] =	sst s0  }
0x18: {  	s0 =	sld [smem:$0x3F9E];
	_ =	swait.ge [sflag:s4], $0x0  }
0x19: {  	s7 =	sld [smem:$0x3F9F]  }
0x1a: {  	s8 =	sadd.s32 $0xFFFFE003, lr  }
0x1b: {  	s9 =	sadd.s32 $0xFFFFFEF7, lr;
	s5 =	simm.s32 $0xFFFFFFFF;
	p2 =	slt.u32 s8, $0xFFFFF086  }
0x1c: {  	p1 =	slt.u32 s9, $0xF7A;
	s5 =	simm.s32 @!p2 $0x0  }
0x1d: {  	s5 =	simm.s32 @p1 $0x1;
	p0 =	seq.s32 s7, s2  }
0x1e: {  	s7 =	smul.u32 @!p0 $0xF7A, s2;
	p2 =	seq.s32 @!p0 s5, $0x0  }
0x1f: {  	s9 =	smul.u32 $0xF7A, s1;
	s8 =	simm.s32 @!p0 $0x1BF5;
	p2 =	por !p2, p0  }
0x20: {  	[sflag:s8] =	ssyncset.s32 @!p0 $0xFFFFF086;
	s6 =	sadd.s32 @!p0 s3, s7;
	s7 =	simm.s32 @!p0 $0x108  }
0x21: {  	s3 =	sadd.s32 s3, s9;
	s6 =	sadd.s32 @!p0 $0x88, s6;
	s7 =	simm.s32 @p2 $0x1082  }
0x22: {  	[simem:s7], [sflag:s8] =	dma.local @!p0 [hbm:s6], $0xF7A  }
0x23: {  	s9 =	sor.u32 $0xD0000000, s2;
	s6 =	simm.s32 $0x108;
	_ =	swait.ge @!p0 [sflag:s8], $0x0  }
0x24: {  	s3 =	sadd.s32 $0x88, s3;
	s6 =	simm.s32 @!p1 $0x1082;
	[sflag:s4] =	ssyncset.s32 $0xFFFFF086  }
0x25: {  	[simem:s6], [sflag:s4] =	dma.local [hbm:s3], $0xF7A  }
0x26: {  	[smem:$0x3F9F] =	sst s1;
	(tag) =	ssettag s2;
	_ =	strace s9  }
0x27: {  	s1 =	sld [smem:$0x3FAF]  }
0x28: {  	s2 =	sld [smem:$0x3FB0]  }
0x29: {  	s4 =	sld [smem:$0x3FB2]  }
0x2a: {  	p0 =	seq.s32 s5, $0x0;
	s5 =	sld [smem:$0x3FB3]  }
0x2b: {  	s6 =	sld [smem:$0x3FB4]  }
0x2c: {  	s7 =	sld [smem:$0x3FB5]  }
0x2d: {  	s3 =	simm.s32 $0x108;
	s8 =	sld [smem:$0x3FB6]  }
0x2e: {  	s3 =	simm.s32 @!p0 $0x1082;
	s9 =	sld [smem:$0x3FB7]  }
0x2f: {  	lr =	sadd.s32 s0, s3;
	s0 =	sld [smem:$0x3FAE]  }
0x30: {  	s3 =	sld [smem:$0x3FB1]  }
0x31: {  	[smem:$0x3FBA] =	sst s10  }
0x32: {  	s10 =	sld [smem:$0x3FB8];
	_ =	sdelay $0x3  }
0x33: {  	p0 =	seq.s32 s10, $0x1;
	s10 =	sld [smem:$0x3FBA];
	_ =	sdelay $0x3  }
0x34: {  	[smem:$0x3FBA] =	sst s10  }
0x35: {  	s10 =	sld [smem:$0x3FB9];
	_ =	sdelay $0x3  }
0x36: {  	p1 =	seq.s32 s10, $0x1;
	s10 =	sld [smem:$0x3FBA];
	_ =	sdelay $0x3  }
0x37: {  	[smem:$0x3FBA] =	sst s10  }
0x38: {  	s10 =	sld [smem:$0x3FBB]  }
0x39: {  	_ = 	snop;
	(pc) =	sbr.ind lr, $3  }
0x3a: {  	_ = 	snop  }
0x3b: {  	_ = 	snop  }
0x3c: {  	p2 =	seq.s32 s10, $0x1;
	s10 =	sld [smem:$0x3FBA]  }
0x3d: {  	_ =	shalt  }
0x3e: {  	_ =	shalt  }
0x3f: {  	_ =	shalt  }
0x40: {  	_ =	shalt  }
0x41: {  	_ =	shalt  }
0x42: {  	_ =	shalt  }
0x43: {  	_ =	shalt  }
0x44: {  	_ =	shalt  }
0x45: {  	_ =	shalt  }
0x46: {  	_ =	shalt  }
0x47: {  	_ =	shalt  }
0x48: {  	_ =	shalt  }
0x49: {  	_ =	shalt  }
0x4a: {  	_ =	shalt  }
0x4b: {  	_ =	shalt  }
0x4c: {  	_ =	shalt  }
0x4d: {  	_ =	shalt  }
0x4e: {  	_ =	shalt  }
0x4f: {  	_ =	shalt  }
0x50: {  	_ =	shalt  }
0x51: {  	_ =	shalt  }
0x52: {  	_ =	shalt  }
0x53: {  	_ =	shalt  }
0x54: {  	_ =	shalt  }
0x55: {  	_ =	shalt  }
0x56: {  	_ =	shalt  }
0x57: {  	_ =	shalt  }
0x58: {  	_ =	shalt  }
0x59: {  	_ =	shalt  }
0x5a: {  	_ =	shalt  }
0x5b: {  	_ =	shalt  }
0x5c: {  	_ =	shalt  }
0x5d: {  	_ =	shalt  }
0x5e: {  	_ =	shalt  }
0x5f: {  	_ =	shalt  }
0x60: {  	_ =	shalt  }
0x61: {  	_ =	shalt  }
0x62: {  	_ =	shalt  }
0x63: {  	_ =	shalt  }
0x64: {  	_ =	shalt  }
0x65: {  	_ =	shalt  }
0x66: {  	_ =	shalt  }
0x67: {  	_ =	shalt  }
0x68: {  	_ =	shalt  }
0x69: {  	_ =	shalt  }
0x6a: {  	_ =	shalt  }
0x6b: {  	_ =	shalt  }
0x6c: {  	_ =	shalt  }
0x6d: {  	_ =	shalt  }
0x6e: {  	_ =	shalt  }
0x6f: {  	_ =	shalt  }
0x70: {  	_ =	shalt  }
0x71: {  	_ =	shalt  }
0x72: {  	_ =	shalt  }
0x73: {  	_ =	shalt  }
0x74: {  	_ =	shalt  }
0x75: {  	_ =	shalt  }
0x76: {  	_ =	shalt  }
0x77: {  	_ =	shalt  }
0x78: {  	_ =	shalt  }
0x79: {  	_ =	shalt  }
0x7a: {  	_ =	shalt  }
0x7b: {  	_ =	shalt  }
0x7c: {  	_ =	shalt  }
0x7d: {  	_ =	shalt  }
0x7e: {  	_ =	shalt  }
0x7f: {  	_ =	shalt  }
0x80: {  	_ =	shalt  }
0x81: {  	_ =	shalt  }
0x82: {  	_ =	shalt  }
0x83: {  	_ =	shalt  }
0x84: {  	_ =	shalt  }
0x85: {  	_ =	shalt  }
0x86: {  	_ =	shalt  }
0x87: {  	_ =	shalt  }
.Lfunc_end0:
.L_simem_size_0:
called_computation_lowered:
.L_overlay_start_0:
0x88: {  	s2 =	sld [smem:$0x3FD9]  }
0x89: {  	s3 =	sld [smem:$0x3FFE];
	_ =	sdelay $0x1  }
0x8a: {  	s1 =	srdreg.scid  }
0x8b: {  	s0 =	sand.u32 $0x1, s1  }
0x8c: {  	s16 =	sshll.u32 s0, $0xA;
	s2 =	sadd.s32 s3, s2  }
0x8d: {  	s2 =	sadd.s32 s2, s16  }
0x8e: {  	[smem:$0x3FC6] =	sst s2  }
0x8f: {  	_ = 	snop  }
0x90: {  	(tm) =	ssettm $0x1  }
0x91: {  	s17 =	sld [smem:$0x3FFB];
	_ =	sdelay $0x3  }
0x92: {  	_ =	strace s17  }
0x93: {  	s2 =	sld [smem:$0x3FFC];
	_ =	sdelay $0x3  }
0x94: {  	_ =	strace s2  }
0x95: {  	s2 =	sld [smem:$0x3FFD];
	_ =	sdelay $0x3  }
0x96: {  	_ =	strace s2  }
0x97: {  	_ =	strace $0x8FFFFFFF  }
0x98: {  	s18 =	sld [smem:$0x3FDB];
	_ =	sdelay $0x1  }
0x99: {  	s19 =	simm.s32 $_scs_section_size  }
0x9a: {  	s4 =	simm.s32 $_size__tile_overlayer_lowered;
	s5 =	simm.s32 $_tile_overlayer_lowered  }
0x9b: {  	s22 =	simm.s32 $0x1BFF;
	s21 =	sshll.u32 s5, $0x1;
	s2 =	sadd.s32 s19, s18  }
0x9c: {  	s6 =	simm.s32 $0x0;
	s20 =	sshll.u32 s4, $0x1;
	s4 =	sadd.s32 s21, s2  }
0x9d: {  	[timem:s6], [sflag:s22] =	dma.local [hbm:s4], s20  }
0x9e: {  	_ =	swait.ge [sflag:s22], s20  }
0x9f: {  	s3 =	ssub.s32 $0x0, s20;
	[sflag:s22] =	ssyncset.done $0x0  }
0xa0: {  	[sflag:s22] =	ssyncadd.s32 s3;
	_ =	sdelay $0x1  }
0xa1: {  	s23 =	simm.s32 $0x1B8B  }
0xa2: {  	_ =	swait.ge [sflag:s23], $0x1  }
0xa3: {  	[sflag:s23] =	ssyncset.done $0x0  }
0xa4: {  	s25 =	simm.s32 $0x1B8E;
	s24 =	sld [smem:$0x3FFE];
	[sflag:s23] =	ssyncadd.s32 $0xFFFFFFFF  }
0xa5: {  	s26 =	simm.s32 $execute0_lowered;
	[smem:$0x3FD2] =	sst s25  }
0xa6: {  	s4 =	sshll.u32 s26, $0x1;
	_ =	strace $0x80000046;
	[dreg:$0x1] =	wrdreg $0xFFFFFFFF  }
0xa7: {  	s28 =	simm.s32 $_size_execute0_lowered;
	s2 =	sadd.s32 s2, s4;
	[dreg:$0x0] =	wrdreg $0x0  }
0xa8: {  	s4 =	sshll.u32 s28, $0x1;
	[dreg:$0x2] =	wrdreg s2  }
0xa9: {  	[dreg:$0x3] =	wrdreg s4  }
0xaa: {  	[dreg:$0x4] =	wrdreg $0xC0  }
0xab: {  	_ =	task [dreg:s6], $0x5FFFF  }
0xac: {  	[dreg:$0x1] =	wrdreg $0xFFFFFFFF  }
0xad: {  	[dreg:$0x0] =	wrdreg $0x60  }
0xae: {  	[dreg:$0x2] =	wrdreg s24  }
0xaf: {  	[dreg:$0x3] =	wrdreg $0x6000  }
0xb0: {  	[dreg:$0x4] =	wrdreg $0x6400  }
0xb1: {  	[dreg:$0x5] =	wrdreg $0x6800  }
0xb2: {  	[dreg:$0x6] =	wrdreg $0x9  }
0xb3: {  	_ =	task.clear_ibuf [dreg:s6], $0x7FFFF;
	_ =	strace $0x90000046  }
0xb4: {  	s29 =	simm.s32 $0x9;
	_ =	strace $0x80000048  }
0xb5: {  	_ =	swait.ge [sflag:s29], $0x1  }
0xb6: {  	[sflag:s29] =	ssyncadd.s32 $0xFFFFFFFF  }
0xb7: {  	_ =	strace $0x90000048  }
0xb8: {  	_ =	sfence  }
0xb9: {  	s30 =	sld [smem:$0x0];
	_ =	sdelay $0x2  }
0xba: {  	s31 =	sshll.u32 s1, $0xD;
	s1 =	sshrl.u32 s1, $0x2  }
0xbb: {  	s3 =	sand.u32 $0x4000, s31;
	s1 =	sadd.s32 s1, s30  }
0xbc: {  	s0 =	sor.u32 s3, s0;
	s1 =	sshll.u32 s1, $0x11  }
0xbd: {  	s0 =	sor.u32 s1, s0  }
0xbe: {  	s0 =	sadd.s32 $0x8F2B, s0  }
0xbf: {  	[sflag:s0] =	ssyncadd.remote.s32 $0x1  }
0xc0: {  	_ =	sfence.sel $0xFFFF  }
0xc1: {  	[dreg:$0x0] =	wrdreg $0xFFFFFFFF;
	(pc) =	sbr.abs _section_cstart, $3  }
0xc2: {  	[dreg:$0x1] =	wrdreg $0xFFFFFFFF  }
0xc3: {  	_ =	task.clear_ibuf [dreg:s6], $0x2FFFF;
	_ =	strace $0x9FFFFFFF  }
0xc4: {  	(tm) =	ssettm $0x7FFFFFFF  }
0xc5: {  	_ =	shalt  }
tec
execute0_lowered:
.L_overlay_start_1:
0x0: {  	(tag) =	ssettag $0x1  }
0x1: {  	s5 =	rddreg [dreg:$0x0]  }
0x2: {  	s1 =	rddreg [dreg:$0x1]  }
0x3: {  	s2 =	rddreg [dreg:$0x2]  }
0x4: {  	s3 =	rddreg [dreg:$0x3]  }
0x5: {  	s0 =	rddreg [dreg:$0x4]  }
0x6: {  	s4 =	simm.s32 $0x0;
	s6 =	srdreg.scid;
	s13 =	stileid.u32  }
0x7: {  	s14 =	simm.s32 $0x80;
	s15 =	simm.s32 $0x100;
	s16 =	simm.s32 $0x200  }
0x8: {  	s17 =	simm.s32 $0x180;
	[smem:$0x7FF] =	sst s4;
	s6 =	sand.u32 $0x1, s6  }
0x9: {  	s8 =	sshll.u32 s13, $0x4;
	p0 =	sne.s32 s13, $0x0;
	s13 =	simm.s32 $0x1  }
0xa: {  	_ =	strace $0x80000047;
	s7 =	sshll.u32 s6, $0x8;
	s30 =	sshll.u32 s6, $0x9  }
0xb: {  	s6 =	ssub.s32 $0x2, s6;
	s18 =	sshrl.u32 @!p0 s1, $0x3;
	s19 =	sshrl.u32 @!p0 s2, $0x3  }
.Ltmp0:
0xc: {  	s20 =	sshrl.u32 @!p0 s3, $0x3;
	s7 =	sor.u32 s8, s7;
	(pc) =	sbr.rel .LBB2_1-.Ltmp0, $4  }
0xd: {  	s11 =	sadd.s32 s30, s5;
	s31 =	sshrl.u32 s6, $0x1;
	s7 =	sadd.s32 s7, s5  }
0xe: {  	s12 =	ssub.s32 s6, s31;
	s8 =	sadd.s32 $0x1830, s11;
	s9 =	sadd.s32 $0x1800, s11  }
0xf: {  	s10 =	sadd.s32 $0x1810, s11;
	s11 =	sadd.s32 $0x1820, s11;
	s5 =	sadd.s32 $0x1200, s7  }
0x10: {  	v0 =	vimm.f32 $1.000000000e+00;
	v1 =	vimm.f32 $0.0e+00;
	s6 =	sadd.s32 $0x1600, s7;
	s7 =	sadd.s32 $0x1400, s7;
	s12 =	smax.u32 s12, $0x1  }
.LBB2_3:
0x11: {  	[bflag:$0x0] =	sbarrier.arrive $0xFFFF  }
0x12: {  	[spmem:s1] =	stream.indirect.scatter.add.f32 [tilespmem:s17], [sflag:$0x1], $0x1, s4, s14, $0xb8;
	[tilespmem:$0x6C0] =	vst v63  }
0x13: {  	_ =	swait.ge [sflag:s13], $0x80  }
0x14: {  	[sflag:s13] =	ssyncset.done $0x0  }
0x15: {  	[sflag:s13] =	ssyncadd.s32 $0xFFFFFF80  }
0x16: {  	[spmem:s2] =	stream.indirect.scatter.add.f32 [tilespmem:s14], [sflag:$0x1], $0x1, s4, s14, $0xb8;
	[tilespmem:$0x6C0] =	vst v63  }
0x17: {  	_ =	swait.ge [sflag:s13], $0x80  }
0x18: {  	[sflag:s13] =	ssyncset.done $0x0  }
0x19: {  	[sflag:s13] =	ssyncadd.s32 $0xFFFFFF80  }
0x1a: {  	[spmem:s3] =	stream.indirect.scatter.add.f32 [tilespmem:s15], [sflag:$0x1], $0x1, s4, s14, $0xb8;
	[tilespmem:$0x6C0] =	vst v63  }
0x1b: {  	_ =	swait.ge [sflag:s13], $0x80  }
0x1c: {  	[sflag:s13] =	ssyncset.done $0x0  }
0x1d: {  	s21 =	simm.s32 @!p0 $0x1;
	s22 =	simm.s32 @!p0 $0x40;
	[sflag:s13] =	ssyncadd.s32 $0xFFFFFF80  }
0x1e: {  	s23 =	simm.s32 @!p0 $0x10;
	s24 =	simm.s32 @!p0 $0x1C01;
	[bflag:$0x0] =	sbarrier.arrive $0xFFFF  }
0x1f: {  	[hbm:s9@s22], [sflag:s24] =	dma.strided @!p0 [spmem:s18@s23], $0x80, s21, $0x10   }
0x20: {  	_ =	swait.ge @!p0 [sflag:s21], $0x80  }
0x21: {  	[sflag:s21] =	ssyncset.done @!p0 $0x0  }
0x22: {  	[sflag:s21] =	ssyncadd.s32 @!p0 $0xFFFFFF80  }
0x23: {  	[hbm:s10@s22], [sflag:s24] =	dma.strided @!p0 [spmem:s19@s23], $0x80, s21, $0x10   }
0x24: {  	s12 =	sadd.s32 $0xFFFFFFFF, s12;
	_ =	swait.ge @!p0 [sflag:s21], $0x80  }
0x25: {  	p1 =	sne.s32 s12, $0x0;
	[sflag:s21] =	ssyncset.done @!p0 $0x0  }
.Ltmp1:
0x26: {  	[sflag:s21] =	ssyncadd.s32 @!p0 $0xFFFFFF80;
	(pc) =	sbr.rel @!p1 .LBB2_4-.Ltmp1, $4  }
0x27: {  	[hbm:s11@s22], [sflag:s24] =	dma.strided @!p0 [spmem:s20@s23], $0x80, s21, $0x10   }
0x28: {  	_ =	swait.ge @!p0 [sflag:s21], $0x80  }
0x29: {  	[sflag:s21] =	ssyncset.done @!p0 $0x0  }
0x2a: {  	[sflag:s21] =	ssyncadd.s32 @!p0 $0xFFFFFF80  }
.LBB2_1:
0x2b: {  	[tilespmem:s4], [sflag:$0x1] =	stream.linear.gather [hbm4b:s5+s4], $0x80, $0x38;
	[tilespmem:$0x6C0] =	vst v63  }
0x2c: {  	_ =	swait.ge [sflag:s13], $0x80  }
0x2d: {  	[sflag:s13] =	ssyncset.done $0x0  }
0x2e: {  	[sflag:s13] =	ssyncadd.s32 $0xFFFFFF80  }
0x2f: {  	[tilespmem:s14], [sflag:$0x1] =	stream.linear.gather [hbm4b:s6+s4], $0x80, $0x38;
	[tilespmem:$0x6C0] =	vst v63  }
0x30: {  	_ =	swait.ge [sflag:s13], $0x80  }
0x31: {  	[sflag:s13] =	ssyncset.done $0x0  }
0x32: {  	[sflag:s13] =	ssyncadd.s32 $0xFFFFFF80  }
0x33: {  	[tilespmem:s15], [sflag:$0x1] =	stream.linear.gather [hbm4b:s7+s4], $0x80, $0x38;
	[tilespmem:$0x6C0] =	vst v63  }
0x34: {  	_ =	swait.ge [sflag:s13], $0x80  }
0x35: {  	[sflag:s13] =	ssyncset.done $0x0  }
0x36: {  	[sflag:s13] =	ssyncadd.s32 $0xFFFFFF80  }
0x37: {  	[tilespmem:$0x180] =	vst v0  }
0x38: {  	[tilespmem:$0x190] =	vst v0  }
0x39: {  	[tilespmem:$0x1A0] =	vst v0  }
.Ltmp2:
0x3a: {  	[tilespmem:$0x1B0] =	vst v0;
	(pc) =	sbr.rel @p0 .LBB2_3-.Ltmp2, $4  }
0x3b: {  	[tilespmem:$0x1C0] =	vst v0  }
0x3c: {  	[tilespmem:$0x1D0] =	vst v0  }
0x3d: {  	[tilespmem:$0x1E0] =	vst v0  }
0x3e: {  	[tilespmem:$0x1F0] =	vst v0  }
0x3f: {  	[tilespmem:$0x200] =	vst v1  }
0x40: {  	[tilespmem:$0x210] =	vst v1  }
0x41: {  	[tilespmem:$0x220] =	vst v1  }
0x42: {  	[tilespmem:$0x230] =	vst v1  }
0x43: {  	[tilespmem:$0x240] =	vst v1  }
0x44: {  	[tilespmem:$0x250] =	vst v1  }
0x45: {  	[tilespmem:$0x260] =	vst v1  }
0x46: {  	[tilespmem:$0x270] =	vst v1  }
0x47: {  	[tilespmem:$0x280] =	vst v1  }
0x48: {  	[tilespmem:$0x290] =	vst v1  }
0x49: {  	[tilespmem:$0x2A0] =	vst v1  }
0x4a: {  	[tilespmem:$0x2B0] =	vst v1  }
0x4b: {  	[tilespmem:$0x2C0] =	vst v1  }
0x4c: {  	[tilespmem:$0x2D0] =	vst v1  }
0x4d: {  	[tilespmem:$0x2E0] =	vst v1  }
0x4e: {  	[tilespmem:$0x2F0] =	vst v1  }
0x4f: {  	[tilespmem:$0x300] =	vst v1  }
0x50: {  	[tilespmem:$0x310] =	vst v1  }
0x51: {  	[tilespmem:$0x320] =	vst v1  }
0x52: {  	[tilespmem:$0x330] =	vst v1  }
0x53: {  	[tilespmem:$0x340] =	vst v1  }
0x54: {  	[tilespmem:$0x350] =	vst v1  }
0x55: {  	[tilespmem:$0x360] =	vst v1  }
0x56: {  	[tilespmem:$0x370] =	vst v1  }
0x57: {  	[tilespmem:$0x380] =	vst v1  }
0x58: {  	[tilespmem:$0x390] =	vst v1  }
0x59: {  	[tilespmem:$0x3A0] =	vst v1  }
0x5a: {  	[tilespmem:$0x3B0] =	vst v1  }
0x5b: {  	[tilespmem:$0x3C0] =	vst v1  }
0x5c: {  	[tilespmem:$0x3D0] =	vst v1  }
0x5d: {  	[tilespmem:$0x3E0] =	vst v1  }
0x5e: {  	[tilespmem:$0x3F0] =	vst v1  }
0x5f: {  	[tilespmem:$0x400] =	vst v1  }
0x60: {  	[tilespmem:$0x410] =	vst v1  }
0x61: {  	[tilespmem:$0x420] =	vst v1  }
0x62: {  	[tilespmem:$0x430] =	vst v1  }
0x63: {  	[tilespmem:$0x440] =	vst v1  }
0x64: {  	[tilespmem:$0x450] =	vst v1  }
0x65: {  	[tilespmem:$0x460] =	vst v1  }
0x66: {  	[tilespmem:$0x470] =	vst v1  }
0x67: {  	[tilespmem:$0x480] =	vst v1  }
0x68: {  	[tilespmem:$0x490] =	vst v1  }
0x69: {  	[tilespmem:$0x4A0] =	vst v1  }
0x6a: {  	[tilespmem:$0x4B0] =	vst v1  }
0x6b: {  	[tilespmem:$0x4C0] =	vst v1  }
0x6c: {  	[tilespmem:$0x4D0] =	vst v1  }
0x6d: {  	[tilespmem:$0x4E0] =	vst v1  }
0x6e: {  	[tilespmem:$0x4F0] =	vst v1  }
0x6f: {  	[tilespmem:$0x500] =	vst v1  }
0x70: {  	[tilespmem:$0x510] =	vst v1  }
0x71: {  	[tilespmem:$0x520] =	vst v1  }
0x72: {  	[tilespmem:$0x530] =	vst v1  }
0x73: {  	[tilespmem:$0x540] =	vst v1  }
0x74: {  	[tilespmem:$0x550] =	vst v1  }
0x75: {  	[tilespmem:$0x560] =	vst v1  }
0x76: {  	[tilespmem:$0x570] =	vst v1  }
0x77: {  	[tilespmem:$0x580] =	vst v1  }
0x78: {  	[tilespmem:$0x590] =	vst v1  }
0x79: {  	[tilespmem:$0x5A0] =	vst v1  }
0x7a: {  	[tilespmem:$0x5B0] =	vst v1  }
0x7b: {  	[tilespmem:$0x5C0] =	vst v1  }
0x7c: {  	[tilespmem:$0x5D0] =	vst v1  }
0x7d: {  	[tilespmem:$0x5E0] =	vst v1  }
0x7e: {  	[tilespmem:$0x5F0] =	vst v1  }
0x7f: {  	[spmem:s1] =	stream.linear.scatter [tilespmem:s16], [sflag:$0x1], $0x400, $0x38;
	[tilespmem:$0x6C0] =	vst v63  }
0x80: {  	_ =	swait.ge [sflag:s13], $0x400  }
0x81: {  	[sflag:s13] =	ssyncset.done $0x0  }
0x82: {  	[sflag:s13] =	ssyncadd.s32 $0xFFFFFC00  }
0x83: {  	[spmem:s2] =	stream.linear.scatter [tilespmem:s16], [sflag:$0x1], $0x400, $0x38;
	[tilespmem:$0x6C0] =	vst v63  }
0x84: {  	_ =	swait.ge [sflag:s13], $0x400  }
0x85: {  	[sflag:s13] =	ssyncset.done $0x0  }
0x86: {  	[sflag:s13] =	ssyncadd.s32 $0xFFFFFC00  }
0x87: {  	[spmem:s3] =	stream.linear.scatter [tilespmem:s16], [sflag:$0x1], $0x400, $0x38;
	[tilespmem:$0x6C0] =	vst v63  }
0x88: {  	_ =	swait.ge [sflag:s13], $0x400  }
0x89: {  	[sflag:s13] =	ssyncset.done $0x0  }
.Ltmp3:
0x8a: {  	[sflag:s13] =	ssyncadd.s32 $0xFFFFFC00;
	(pc) =	sbr.rel .LBB2_3-.Ltmp3, $4  }
0x8b: {  	[hbm4b:s8+s14] =	stream.strided.scatter [tilespmem:s16], [sflag:$0x1], $0x400, s16, s14, $0x38;
	[tilespmem:$0x6C0] =	vst v63  }
0x8c: {  	_ =	swait.ge [sflag:s13], $0x400  }
0x8d: {  	[sflag:s13] =	ssyncset.done $0x0  }
0x8e: {  	[sflag:s13] =	ssyncadd.s32 $0xFFFFFC00  }
.LBB2_4:
0x8f: {  	_ =	sfence.sel $0x180000  }
0x90: {  	[bflag:$0x0] =	sbarrier.arrive $0xFFFF  }
0x91: {  	_ =	strace $0x90000047  }
0x92: {  	s0 =	sadd.s32 @!p0 $0x100000, s0;
	[bflag:$0x2] =	sbarrier.arrive $0xFFFF  }
0x93: {  	[sflag:s0] =	ssyncadd.tile.s32 @!p0 $0x1;
	_ =	shalt  }
.Lfunc_end2:
_tile_overlayer_lowered:
.L_overlay_start_2:
0x94: {  	(tag) =	ssettag $0x2  }
0x95: {  	s0 =	rddreg [dreg:$0x0];
	s2 =	stileid.u32  }
0x96: {  	s1 =	rddreg [dreg:$0x1];
	p0 =	sne.s32 s2, $0x0  }
0x97: {  	s3 =	rddreg [dreg:$0x2];
	[bflag:$0x3] =	sbarrier.arrive $0xFFFF;
	s2 =	simm.s32 @!p0 $0x1C01  }
0x98: {  	[timem:s3], [sflag:s2] =	dma.local @!p0 [hbm:s0], s1  }
0x99: {  	s0 =	simm.s32 @!p0 $0x1  }
0x9a: {  	_ =	swait.ge @!p0 [sflag:s0], s1  }
0x9b: {  	s1 =	ssub.s32 @!p0 $0x0, s1;
	[sflag:s0] =	ssyncset.done @!p0 $0x0  }
0x9c: {  	[sflag:s0] =	ssyncadd.s32 @!p0 s1  }
0x9d: {  	[bflag:$0x3] =	sbarrier.arrive $0xFFFF  }
0x9e: {  	_ =	shalt  }

</sc_bundles>
